<compile_context>
chip_gen: v7x
topology: tpu7x:2x2x1
jax: 0.10.2.dev20260603
libtpu: 0.0.44.dev20260713+nightly
codegen_flags: <defaults>
</compile_context>

<pallas_src>
import functools

import jax
import jax.numpy as jnp
from jax import lax
from jax.experimental import pallas as pl
from jax.experimental.pallas import tpu as pltpu
from jax.experimental.pallas import tpu_sc as plsc

LOG_REG_C = 2.5e-05
LEAF_COEF = 10.0
NTRANS = 50000
N_PARENTS = 800000
N_STEMS = 400000
NUM_BLOCKS = 105

NC = 2
NS = 16
NW = NC * NS

BIN_CHUNK = 3200
NBINS_PAD = NS * BIN_CHUNK

ROW_CHUNK = 16000


def _rowsum_body(x_ref, o_ref):
    i = pl.program_id(0)
    o_ref[pl.ds(i * ROW_CHUNK, ROW_CHUNK)] = jnp.sum(jnp.exp(x_ref[:]), axis=0)


def _tc_rowsum(stem_out_s):
    n = stem_out_s.shape[0]
    nchunk = n // ROW_CHUNK
    out = pl.pallas_call(
        _rowsum_body,
        grid=(nchunk,),
        in_specs=[pl.BlockSpec((NUM_BLOCKS, ROW_CHUNK), lambda i: (0, i))],
        out_specs=pl.BlockSpec((n,), lambda i: (0,)),
        out_shape=jax.ShapeDtypeStruct((n,), jnp.float32),
    )(stem_out_s.T)
    return out


@functools.cache
def _make_sc_scatter(n, win, do_exp):
    mesh = plsc.VectorSubcoreMesh(
        core_axis_name="c", subcore_axis_name="s",
        num_cores=NC, num_subcores=NS)
    npw = n // NW
    assert n % NW == 0 and win % 16 == 0 and win >= npw + 8
    assert (n - win) % 8 == 0

    @functools.partial(
        pl.kernel,
        out_type=jax.ShapeDtypeStruct((NC, NBINS_PAD), jnp.float32),
        mesh=mesh,
        scratch_types=[
            pltpu.VMEM((win,), jnp.int32),
            pltpu.VMEM((win,), jnp.float32),
            pltpu.VMEM((BIN_CHUNK,), jnp.float32),
            pltpu.VMEM_SHARED((NBINS_PAD,), jnp.float32),
            pltpu.SemaphoreType.DMA,
        ],
    )
    def sc_scatter(idx_hbm, val_hbm, out_hbm, idx_v, val_v, zero_v, acc_sh, sem):
        c = lax.axis_index("c")
        s = lax.axis_index("s")
        wid = s * NC + c

        def zbody(i, carry):
            zero_v[pl.ds(i * 16, 16)] = jnp.zeros((16,), jnp.float32)
            return carry

        lax.fori_loop(0, BIN_CHUNK // 16, zbody, 0)
        pltpu.sync_copy(zero_v, acc_sh.at[pl.ds(s * BIN_CHUNK, BIN_CHUNK)])

        e0 = wid * npw
        s0 = jnp.minimum((e0 // 8) * 8, n - win)
        s0 = pl.multiple_of(s0, 8)
        lo = e0 - s0
        hi = lo + npw

        pltpu.sync_copy(idx_hbm.at[pl.ds(s0, win)], idx_v)
        pltpu.sync_copy(val_hbm.at[pl.ds(s0, win)], val_v)

        def ebody(i, carry):
            off = i * 16
            p = off + lax.iota(jnp.int32, 16)
            valid = jnp.logical_and(p >= lo, p < hi)
            v = val_v[pl.ds(off, 16)]
            if do_exp:
                v = jnp.exp(v)
            val_v[pl.ds(off, 16)] = jnp.where(valid, v, jnp.zeros_like(v))
            return carry

        lax.fori_loop(0, win // 16, ebody, 0)

        plsc.subcore_barrier()

        pltpu.async_copy(val_v, acc_sh.at[idx_v], sem, add=True).wait()

        plsc.subcore_barrier()
        pltpu.sync_copy(
            acc_sh.at[pl.ds(s * BIN_CHUNK, BIN_CHUNK)],
            out_hbm.at[c, pl.ds(s * BIN_CHUNK, BIN_CHUNK)],
        )

    return sc_scatter


def _final_body(infl_ref, stems_ref, mol_ref, r_ref, d_ref,
                loss_ref, term_ref, flow_ref):
    exp_inflow = infl_ref[0:1, :NTRANS] + infl_ref[1:2, :NTRANS]
    inflow = jnp.log(exp_inflow + LOG_REG_C)
    d = d_ref[:]
    r = r_ref[:]
    exp_outflow = (stems_ref[0:1, :NTRANS] + stems_ref[1:2, :NTRANS]
                   + jnp.exp(mol_ref[:]))
    outflow_plus_r = jnp.log(LOG_REG_C + r + exp_outflow * (1.0 - d))
    losses = (inflow - outflow_plus_r) ** 2
    om = 1.0 - d
    term = jnp.sum(losses * d) / (jnp.sum(d) + 1e-20)
    flow = jnp.sum(losses * om) / (jnp.sum(om) + 1e-20)
    loss_ref[0, 0] = term * LEAF_COEF + flow
    term_ref[0, 0] = term
    flow_ref[0, 0] = flow


def _tc_final(infl, stems, mol, r, d):
    smem_spec = pl.BlockSpec(memory_space=pltpu.SMEM)
    scalar = jax.ShapeDtypeStruct((1, 1), jnp.float32)
    return pl.pallas_call(
        _final_body,
        out_shape=(scalar, scalar, scalar),
        out_specs=(smem_spec, smem_spec, smem_spec),
    )(infl, stems, mol, r, d)


def kernel(stem_out_s, mol_out_s, qsa_p, r, d, pb, stem_batch):
    pb1 = pb.astype(jnp.int32)
    sb1 = stem_batch.astype(jnp.int32)

    infl = _make_sc_scatter(N_PARENTS, 25008, True)(pb1, qsa_p)

    row_sum = _tc_rowsum(stem_out_s)

    row_sum, infl = lax.optimization_barrier((row_sum, infl))

    stems = _make_sc_scatter(N_STEMS, 12512, False)(sb1, row_sum)

    mol2 = mol_out_s.reshape(1, NTRANS)
    r2 = r.reshape(1, NTRANS)
    d2 = d.reshape(1, NTRANS)
    loss, term, flow = _tc_final(infl, stems, mol2, r2, d2)
    return (loss[0, 0], term[0, 0], flow[0, 0])

# --- scband reference (transcript-rebuilt; emitter-appended) ---
"""Pipeline reference for scband-fmgflow-net-24300924961588 (READ-ONLY COPY).

The authoritative reference and input builder live on the scoring server;
editing this copy changes nothing except your own understanding.
"""

import jax, jax.numpy as jnp
import numpy as np

LOG_REG_C = 2.5e-05
LEAF_COEF = 10.0
NTRANS = 50000
N_PARENTS = 800000
N_STEMS = 400000
NUM_BLOCKS = 105


def setup_inputs(seed: int = 0) -> dict:
    key = jax.random.key(seed)
    k1, k2, k3, k4, k5, k6, k7 = jax.random.split(key, 7)
    stem_out_s = jax.random.normal(k1, (N_STEMS, NUM_BLOCKS), dtype=jnp.float32)
    mol_out_s = jax.random.normal(k2, (NTRANS, 1), dtype=jnp.float32)
    qsa_p = jax.random.normal(k3, (N_PARENTS,), dtype=jnp.float32)
    r = jax.random.uniform(k4, (NTRANS,), dtype=jnp.float32)
    d = jax.random.uniform(k5, (NTRANS,), dtype=jnp.float32)
    pb = jnp.sort(jax.random.randint(k6, (N_PARENTS,), 0, NTRANS, dtype=jnp.int64))
    stem_batch = jnp.sort(jax.random.randint(k7, (N_STEMS,), 0, NTRANS, dtype=jnp.int64))
    return {"stem_out_s": stem_out_s, "mol_out_s": mol_out_s, "qsa_p": qsa_p, "r": r, "d": d, "pb": pb, "stem_batch": stem_batch}


def reference(stem_out_s, mol_out_s, qsa_p, r, d, pb, stem_batch):
    ntransitions = r.shape[0]
    # inflow: scatter-add exp(qsa_p) into transition segments by parent-back-pointer pb
    exp_inflow = jnp.zeros((ntransitions,), dtype=qsa_p.dtype).at[pb].add(jnp.exp(qsa_p))
    inflow = jnp.log(exp_inflow + LOG_REG_C)
    # outflow: sum_output = global_add_pool(exp(stem_out), stems_batch).sum(1) + exp(mol_out)
    stem_pool = jax.ops.segment_sum(jnp.exp(stem_out_s), stem_batch, num_segments=ntransitions)
    exp_outflow = stem_pool.sum(axis=1) + jnp.exp(mol_out_s[:, 0])
    outflow_plus_r = jnp.log(LOG_REG_C + r + exp_outflow * (1.0 - d))
    losses = (inflow - outflow_plus_r) ** 2
    term_loss = (losses * d).sum() / (d.sum() + 1e-20)
    flow_loss = (losses * (1.0 - d)).sum() / ((1.0 - d).sum() + 1e-20)
    # balanced_loss=True branch
    loss = term_loss * LEAF_COEF + flow_loss
    return (loss, term_loss, flow_loss)

if __name__ == "__main__":
    import jax
    _d = setup_inputs()
    print(jax.jit(kernel)(*tuple(_d.values())))

</pallas_src>

<mosaic_0001>
#map = affine_map<(d0, d1) -> (0)>
#map1 = affine_map<(d0, d1) -> (0, 0)>
module attributes {stable_mosaic.version = 14 : i64} {
  func.func @sc_scatter(%arg0: i32, %arg1: i32, %arg2: memref<400000xi32, #tpu.memory_space<hbm>>, %arg3: memref<400000xf32, #tpu.memory_space<hbm>>, %arg4: memref<2x51200xf32, #tpu.memory_space<hbm>>, %arg5: memref<12512xi32, #tpu.memory_space<vmem>>, %arg6: memref<12512xf32, #tpu.memory_space<vmem>>, %arg7: memref<3200xf32, #tpu.memory_space<vmem>>, %arg8: memref<51200xf32, #tpu.memory_space<vmem_shared>>, %arg9: memref<!tpu.dma_semaphore, #tpu.memory_space<semaphore_mem>>) attributes {dimension_semantics = [#tpu.dimension_semantics<core_parallel>, #tpu.dimension_semantics<subcore_parallel>], iteration_bounds = array<i64: 2, 16>, scalar_prefetch = 0 : i64, scratch_operands = 5 : i64, tpu.core_type = #tpu.core_type<sc_vector_subcore>, window_params = [{transform_indices = #map}, {transform_indices = #map}, {transform_indices = #map1}]} {
    %mul3A = arith.constant 2 : i32
    %mul3A_0 = arith.muli %arg1, %mul3A : i32
    %add3A = arith.addi %mul3A_0, %arg0 : i32
    %scan3A = arith.constant 0 : i32
    %scan3A_1 = arith.constant 0 : i32
    %scan3A_2 = arith.constant 200 : i32
    %scan3A_3 = arith.addi %scan3A_1, %scan3A_2 : i32
    %scan3A_4 = arith.constant 1 : i32
    scf.for %scan3A_45 = %scan3A_1 to %scan3A_3 step %scan3A_4  : i32 {
      %broadcast_in_dim3A = arith.constant 0.000000e+00 : f32
      %broadcast_in_dim3A_46 = vector.broadcast %broadcast_in_dim3A : f32 to vector<16xf32>
      %mul3A_47 = arith.constant 16 : i32
      %mul3A_48 = arith.muli %scan3A_45, %mul3A_47 : i32
      %swap3A = arith.index_cast %mul3A_48 : i32 to index
      %swap3A_49 = tpu.vector_load %arg7[%swap3A] {strides = array<i32>} : memref<3200xf32, #tpu.memory_space<vmem>>, vector<16xf32>,
      %swap3A_50 = vector.shape_cast %swap3A_49 : vector<16xf32> to vector<16xf32>
      %swap3A_51 = vector.shape_cast %broadcast_in_dim3A_46 : vector<16xf32> to vector<16xf32>
      tpu.vector_store %arg7[%swap3A], %swap3A_51 {strides = array<i32>} : memref<3200xf32, #tpu.memory_space<vmem>>, vector<16xf32>,
    }
    %scan3A_5 = arith.constant 200 : i32
    %mul3A_6 = arith.constant 3200 : i32
    %mul3A_7 = arith.muli %arg1, %mul3A_6 : i32
    "tpu.region"() ({
      %run_scoped3A = tpu.sem_alloc : memref<!tpu.dma_semaphore, #tpu.memory_space<semaphore_mem>>
      %dma_start3A_45 = tpu.memref_slice %arg8[%mul3A_7] : memref<51200xf32, #tpu.memory_space<vmem_shared>> -> memref<3200xf32, #tpu.memory_space<vmem_shared>>
      %dma_start3A_46 = tpu.memref_slice %arg8[%mul3A_7] : memref<51200xf32, #tpu.memory_space<vmem_shared>> -> memref<3200xf32, #tpu.memory_space<vmem_shared>>
      tpu.enqueue_dma source(%arg7 : memref<3200xf32, #tpu.memory_space<vmem>>) target(%dma_start3A_46 : memref<3200xf32, #tpu.memory_space<vmem_shared>>) target_semaphore(%run_scoped3A : memref<!tpu.dma_semaphore, #tpu.memory_space<semaphore_mem>>)
      %dma_wait3A_47 = tpu.memref_slice %arg8[%mul3A_7] : memref<51200xf32, #tpu.memory_space<vmem_shared>> -> memref<3200xf32, #tpu.memory_space<vmem_shared>>
      %dma_wait3A_48 = tpu.memref_slice %arg8[%mul3A_7] : memref<51200xf32, #tpu.memory_space<vmem_shared>> -> memref<3200xf32, #tpu.memory_space<vmem_shared>>
      tpu.wait_dma2 semaphore(%run_scoped3A : memref<!tpu.dma_semaphore, #tpu.memory_space<semaphore_mem>>) src(%arg7 : memref<3200xf32, #tpu.memory_space<vmem>>) dst(%dma_wait3A_48 : memref<3200xf32, #tpu.memory_space<vmem_shared>>)
      tpu.yield
    }) : () -> ()
    %mul3A_8 = arith.constant 12500 : i32
    %mul3A_9 = arith.muli %add3A, %mul3A_8 : i32
    %jit3A = arith.constant 8 : i32
    %div3A = arith.divsi %mul3A_9, %jit3A : i32
    %sign3A = arith.constant 0 : i32
    %sign3A_10 = arith.cmpi sgt, %mul3A_9, %sign3A : i32
    %sign3A_11 = arith.extui %sign3A_10 : i1 to i32
    %sign3A_12 = arith.constant 0 : i32
    %sign3A_13 = arith.cmpi slt, %mul3A_9, %sign3A_12 : i32
    %sign3A_14 = arith.extui %sign3A_13 : i1 to i32
    %sign3A_15 = arith.subi %sign3A_11, %sign3A_14 : i32
    %sign3A_16 = arith.constant 0 : i32
    %sign3A_17 = arith.cmpi sgt, %jit3A, %sign3A_16 : i32
    %sign3A_18 = arith.extui %sign3A_17 : i1 to i32
    %sign3A_19 = arith.constant 0 : i32
    %sign3A_20 = arith.cmpi slt, %jit3A, %sign3A_19 : i32
    %sign3A_21 = arith.extui %sign3A_20 : i1 to i32
    %sign3A_22 = arith.subi %sign3A_18, %sign3A_21 : i32
    %ne3A = arith.cmpi ne, %sign3A_15, %sign3A_22 : i32
    %rem3A = arith.remsi %mul3A_9, %jit3A : i32
    %ne3A_23 = arith.constant 0 : i32
    %ne3A_24 = arith.cmpi ne, %rem3A, %ne3A_23 : i32
    %and3A = arith.andi %ne3A, %ne3A_24 : i1
    %sub3A = arith.constant 1 : i32
    %sub3A_25 = arith.subi %div3A, %sub3A : i32
    %select_n3A = arith.select %and3A, %sub3A_25, %div3A : i32
    %mul3A_26 = arith.constant 8 : i32
    %mul3A_27 = arith.muli %select_n3A, %mul3A_26 : i32
    %min3A = arith.constant 387488 : i32
    %min3A_28 = arith.minsi %mul3A_27, %min3A : i32
    %multiple_of3A = tpu.assume_multiple %min3A_28, 8 : i32
    %sub3A_29 = arith.subi %mul3A_9, %multiple_of3A : i32
    %add3A_30 = arith.constant 12500 : i32
    %add3A_31 = arith.addi %sub3A_29, %add3A_30 : i32
    "tpu.region"() ({
      %run_scoped3A = tpu.sem_alloc : memref<!tpu.dma_semaphore, #tpu.memory_space<semaphore_mem>>
      %dma_start3A_45 = tpu.memref_slice %arg2[%multiple_of3A] : memref<400000xi32, #tpu.memory_space<hbm>> -> memref<12512xi32, #tpu.memory_space<hbm>>
      %dma_start3A_46 = tpu.memref_slice %arg2[%multiple_of3A] : memref<400000xi32, #tpu.memory_space<hbm>> -> memref<12512xi32, #tpu.memory_space<hbm>>
      tpu.enqueue_dma source(%dma_start3A_46 : memref<12512xi32, #tpu.memory_space<hbm>>) target(%arg5 : memref<12512xi32, #tpu.memory_space<vmem>>) target_semaphore(%run_scoped3A : memref<!tpu.dma_semaphore, #tpu.memory_space<semaphore_mem>>)
      %dma_wait3A_47 = tpu.memref_slice %arg2[%multiple_of3A] : memref<400000xi32, #tpu.memory_space<hbm>> -> memref<12512xi32, #tpu.memory_space<hbm>>
      %dma_wait3A_48 = tpu.memref_slice %arg2[%multiple_of3A] : memref<400000xi32, #tpu.memory_space<hbm>> -> memref<12512xi32, #tpu.memory_space<hbm>>
      tpu.wait_dma2 semaphore(%run_scoped3A : memref<!tpu.dma_semaphore, #tpu.memory_space<semaphore_mem>>) src(%dma_wait3A_48 : memref<12512xi32, #tpu.memory_space<hbm>>) dst(%arg5 : memref<12512xi32, #tpu.memory_space<vmem>>)
      tpu.yield
    }) : () -> ()
    "tpu.region"() ({
      %run_scoped3A = tpu.sem_alloc : memref<!tpu.dma_semaphore, #tpu.memory_space<semaphore_mem>>
      %dma_start3A_45 = tpu.memref_slice %arg3[%multiple_of3A] : memref<400000xf32, #tpu.memory_space<hbm>> -> memref<12512xf32, #tpu.memory_space<hbm>>
      %dma_start3A_46 = tpu.memref_slice %arg3[%multiple_of3A] : memref<400000xf32, #tpu.memory_space<hbm>> -> memref<12512xf32, #tpu.memory_space<hbm>>
      tpu.enqueue_dma source(%dma_start3A_46 : memref<12512xf32, #tpu.memory_space<hbm>>) target(%arg6 : memref<12512xf32, #tpu.memory_space<vmem>>) target_semaphore(%run_scoped3A : memref<!tpu.dma_semaphore, #tpu.memory_space<semaphore_mem>>)
      %dma_wait3A_47 = tpu.memref_slice %arg3[%multiple_of3A] : memref<400000xf32, #tpu.memory_space<hbm>> -> memref<12512xf32, #tpu.memory_space<hbm>>
      %dma_wait3A_48 = tpu.memref_slice %arg3[%multiple_of3A] : memref<400000xf32, #tpu.memory_space<hbm>> -> memref<12512xf32, #tpu.memory_space<hbm>>
      tpu.wait_dma2 semaphore(%run_scoped3A : memref<!tpu.dma_semaphore, #tpu.memory_space<semaphore_mem>>) src(%dma_wait3A_48 : memref<12512xf32, #tpu.memory_space<hbm>>) dst(%arg6 : memref<12512xf32, #tpu.memory_space<vmem>>)
      tpu.yield
    }) : () -> ()
    %scan3A_32 = arith.constant 0 : i32
    %scan3A_33 = arith.constant 0 : i32
    %scan3A_34 = arith.constant 782 : i32
    %scan3A_35 = arith.addi %scan3A_33, %scan3A_34 : i32
    %scan3A_36 = arith.constant 1 : i32
    scf.for %scan3A_45 = %scan3A_33 to %scan3A_35 step %scan3A_36  : i32 {
      %mul3A_46 = arith.constant 16 : i32
      %mul3A_47 = arith.muli %scan3A_45, %mul3A_46 : i32
      %iota3A = tpu.iota {dimensions = array<i32: 0>} : vector<16xi32>
      %add3A_48 = vector.broadcast %mul3A_47 : i32 to vector<16xi32>
      %add3A_49 = arith.addi %add3A_48, %iota3A : vector<16xi32>
      %ge3A = vector.broadcast %sub3A_29 : i32 to vector<16xi32>
      %ge3A_50 = arith.cmpi sge, %add3A_49, %ge3A : vector<16xi32>
      %lt3A = vector.broadcast %add3A_31 : i32 to vector<16xi32>
      %lt3A_51 = arith.cmpi slt, %add3A_49, %lt3A : vector<16xi32>
      %and3A_52 = arith.andi %ge3A_50, %lt3A_51 : vector<16xi1>
      %get3A = arith.index_cast %mul3A_47 : i32 to index
      %get3A_53 = tpu.vector_load %arg6[%get3A] {strides = array<i32>} : memref<12512xf32, #tpu.memory_space<vmem>>, vector<16xf32>,
      %get3A_54 = vector.shape_cast %get3A_53 : vector<16xf32> to vector<16xf32>
      %broadcast_in_dim3A = arith.constant 0.000000e+00 : f32
      %broadcast_in_dim3A_55 = vector.broadcast %broadcast_in_dim3A : f32 to vector<16xf32>
      %select_n3A_56 = arith.select %and3A_52, %get3A_54, %broadcast_in_dim3A_55 : vector<16xi1>, vector<16xf32>
      %swap3A = arith.index_cast %mul3A_47 : i32 to index
      %swap3A_57 = tpu.vector_load %arg6[%swap3A] {strides = array<i32>} : memref<12512xf32, #tpu.memory_space<vmem>>, vector<16xf32>,
      %swap3A_58 = vector.shape_cast %swap3A_57 : vector<16xf32> to vector<16xf32>
      %swap3A_59 = vector.shape_cast %select_n3A_56 : vector<16xf32> to vector<16xf32>
      tpu.vector_store %arg6[%swap3A], %swap3A_59 {strides = array<i32>} : memref<12512xf32, #tpu.memory_space<vmem>>, vector<16xf32>,
    }
    %scan3A_37 = arith.constant 782 : i32
    %barrier3A = arith.constant 0 : index
    tpu.barrier barrier_id(%barrier3A)
    %dma_start3A = arith.constant 0 : i32
    %dma_start3A_38 = tpu.memref_slice %arg8[%dma_start3A] : memref<51200xf32, #tpu.memory_space<vmem_shared>> -> memref<51200xf32, #tpu.memory_space<vmem_shared>>
    tpu.enqueue_indirect_dma source(%arg6 : memref<12512xf32, #tpu.memory_space<vmem>>) target(%dma_start3A_38 : memref<51200xf32, #tpu.memory_space<vmem_shared>>) offsets(%arg5 : memref<12512xi32, #tpu.memory_space<vmem>>) semaphore(%arg9 : memref<!tpu.dma_semaphore, #tpu.memory_space<semaphore_mem>>) {add = true}
    %dma_wait3A = arith.constant 0 : i32
    %dma_wait3A_39 = tpu.memref_slice %arg8[%dma_wait3A] : memref<51200xf32, #tpu.memory_space<vmem_shared>> -> memref<51200xf32, #tpu.memory_space<vmem_shared>>
    tpu.wait_indirect_dma semaphore(%arg9 : memref<!tpu.dma_semaphore, #tpu.memory_space<semaphore_mem>>) src(%arg6 : memref<12512xf32, #tpu.memory_space<vmem>>) dst(%dma_wait3A_39 : memref<51200xf32, #tpu.memory_space<vmem_shared>>)
    %barrier3A_40 = arith.constant 0 : index
    tpu.barrier barrier_id(%barrier3A_40)
    %mul3A_41 = arith.constant 3200 : i32
    %mul3A_42 = arith.muli %arg1, %mul3A_41 : i32
    %mul3A_43 = arith.constant 3200 : i32
    %mul3A_44 = arith.muli %arg1, %mul3A_43 : i32
    "tpu.region"() ({
      %run_scoped3A = tpu.sem_alloc : memref<!tpu.dma_semaphore, #tpu.memory_space<semaphore_mem>>
      %dma_start3A_45 = tpu.memref_slice %arg4[%arg0, %mul3A_44] : memref<2x51200xf32, #tpu.memory_space<hbm>> -> memref<1x3200xf32, #tpu.memory_space<hbm>>
      %dma_start3A_46 = tpu.memref_squeeze %dma_start3A_45 : memref<1x3200xf32, #tpu.memory_space<hbm>> -> memref<3200xf32, #tpu.memory_space<hbm>>
      %dma_start3A_47 = tpu.memref_slice %arg8[%mul3A_42] : memref<51200xf32, #tpu.memory_space<vmem_shared>> -> memref<3200xf32, #tpu.memory_space<vmem_shared>>
      tpu.enqueue_dma source(%dma_start3A_47 : memref<3200xf32, #tpu.memory_space<vmem_shared>>) target(%dma_start3A_46 : memref<3200xf32, #tpu.memory_space<hbm>>) target_semaphore(%run_scoped3A : memref<!tpu.dma_semaphore, #tpu.memory_space<semaphore_mem>>)
      %dma_wait3A_48 = tpu.memref_slice %arg4[%arg0, %mul3A_44] : memref<2x51200xf32, #tpu.memory_space<hbm>> -> memref<1x3200xf32, #tpu.memory_space<hbm>>
      %dma_wait3A_49 = tpu.memref_squeeze %dma_wait3A_48 : memref<1x3200xf32, #tpu.memory_space<hbm>> -> memref<3200xf32, #tpu.memory_space<hbm>>
      %dma_wait3A_50 = tpu.memref_slice %arg8[%mul3A_42] : memref<51200xf32, #tpu.memory_space<vmem_shared>> -> memref<3200xf32, #tpu.memory_space<vmem_shared>>
      tpu.wait_dma2 semaphore(%run_scoped3A : memref<!tpu.dma_semaphore, #tpu.memory_space<semaphore_mem>>) src(%dma_wait3A_50 : memref<3200xf32, #tpu.memory_space<vmem_shared>>) dst(%dma_wait3A_49 : memref<3200xf32, #tpu.memory_space<hbm>>)
      tpu.yield
    }) : () -> ()
    return
  }
}

#map = affine_map<(d0, d1) -> (0)>
#map1 = affine_map<(d0, d1) -> (0, 0)>
module attributes {stable_mosaic.version = 14 : i64} {
  func.func @sc_scatter(%arg0: i32, %arg1: i32, %arg2: memref<800000xi32, #tpu.memory_space<hbm>>, %arg3: memref<800000xf32, #tpu.memory_space<hbm>>, %arg4: memref<2x51200xf32, #tpu.memory_space<hbm>>, %arg5: memref<25008xi32, #tpu.memory_space<vmem>>, %arg6: memref<25008xf32, #tpu.memory_space<vmem>>, %arg7: memref<3200xf32, #tpu.memory_space<vmem>>, %arg8: memref<51200xf32, #tpu.memory_space<vmem_shared>>, %arg9: memref<!tpu.dma_semaphore, #tpu.memory_space<semaphore_mem>>) attributes {dimension_semantics = [#tpu.dimension_semantics<core_parallel>, #tpu.dimension_semantics<subcore_parallel>], iteration_bounds = array<i64: 2, 16>, scalar_prefetch = 0 : i64, scratch_operands = 5 : i64, tpu.core_type = #tpu.core_type<sc_vector_subcore>, window_params = [{transform_indices = #map}, {transform_indices = #map}, {transform_indices = #map1}]} {
    %mul3A = arith.constant 2 : i32
    %mul3A_0 = arith.muli %arg1, %mul3A : i32
    %add3A = arith.addi %mul3A_0, %arg0 : i32
    %scan3A = arith.constant 0 : i32
    %scan3A_1 = arith.constant 0 : i32
    %scan3A_2 = arith.constant 200 : i32
    %scan3A_3 = arith.addi %scan3A_1, %scan3A_2 : i32
    %scan3A_4 = arith.constant 1 : i32
    scf.for %scan3A_45 = %scan3A_1 to %scan3A_3 step %scan3A_4  : i32 {
      %broadcast_in_dim3A = arith.constant 0.000000e+00 : f32
      %broadcast_in_dim3A_46 = vector.broadcast %broadcast_in_dim3A : f32 to vector<16xf32>
      %mul3A_47 = arith.constant 16 : i32
      %mul3A_48 = arith.muli %scan3A_45, %mul3A_47 : i32
      %swap3A = arith.index_cast %mul3A_48 : i32 to index
      %swap3A_49 = tpu.vector_load %arg7[%swap3A] {strides = array<i32>} : memref<3200xf32, #tpu.memory_space<vmem>>, vector<16xf32>,
      %swap3A_50 = vector.shape_cast %swap3A_49 : vector<16xf32> to vector<16xf32>
      %swap3A_51 = vector.shape_cast %broadcast_in_dim3A_46 : vector<16xf32> to vector<16xf32>
      tpu.vector_store %arg7[%swap3A], %swap3A_51 {strides = array<i32>} : memref<3200xf32, #tpu.memory_space<vmem>>, vector<16xf32>,
    }
    %scan3A_5 = arith.constant 200 : i32
    %mul3A_6 = arith.constant 3200 : i32
    %mul3A_7 = arith.muli %arg1, %mul3A_6 : i32
    "tpu.region"() ({
      %run_scoped3A = tpu.sem_alloc : memref<!tpu.dma_semaphore, #tpu.memory_space<semaphore_mem>>
      %dma_start3A_45 = tpu.memref_slice %arg8[%mul3A_7] : memref<51200xf32, #tpu.memory_space<vmem_shared>> -> memref<3200xf32, #tpu.memory_space<vmem_shared>>
      %dma_start3A_46 = tpu.memref_slice %arg8[%mul3A_7] : memref<51200xf32, #tpu.memory_space<vmem_shared>> -> memref<3200xf32, #tpu.memory_space<vmem_shared>>
      tpu.enqueue_dma source(%arg7 : memref<3200xf32, #tpu.memory_space<vmem>>) target(%dma_start3A_46 : memref<3200xf32, #tpu.memory_space<vmem_shared>>) target_semaphore(%run_scoped3A : memref<!tpu.dma_semaphore, #tpu.memory_space<semaphore_mem>>)
      %dma_wait3A_47 = tpu.memref_slice %arg8[%mul3A_7] : memref<51200xf32, #tpu.memory_space<vmem_shared>> -> memref<3200xf32, #tpu.memory_space<vmem_shared>>
      %dma_wait3A_48 = tpu.memref_slice %arg8[%mul3A_7] : memref<51200xf32, #tpu.memory_space<vmem_shared>> -> memref<3200xf32, #tpu.memory_space<vmem_shared>>
      tpu.wait_dma2 semaphore(%run_scoped3A : memref<!tpu.dma_semaphore, #tpu.memory_space<semaphore_mem>>) src(%arg7 : memref<3200xf32, #tpu.memory_space<vmem>>) dst(%dma_wait3A_48 : memref<3200xf32, #tpu.memory_space<vmem_shared>>)
      tpu.yield
    }) : () -> ()
    %mul3A_8 = arith.constant 25000 : i32
    %mul3A_9 = arith.muli %add3A, %mul3A_8 : i32
    %jit3A = arith.constant 8 : i32
    %div3A = arith.divsi %mul3A_9, %jit3A : i32
    %sign3A = arith.constant 0 : i32
    %sign3A_10 = arith.cmpi sgt, %mul3A_9, %sign3A : i32
    %sign3A_11 = arith.extui %sign3A_10 : i1 to i32
    %sign3A_12 = arith.constant 0 : i32
    %sign3A_13 = arith.cmpi slt, %mul3A_9, %sign3A_12 : i32
    %sign3A_14 = arith.extui %sign3A_13 : i1 to i32
    %sign3A_15 = arith.subi %sign3A_11, %sign3A_14 : i32
    %sign3A_16 = arith.constant 0 : i32
    %sign3A_17 = arith.cmpi sgt, %jit3A, %sign3A_16 : i32
    %sign3A_18 = arith.extui %sign3A_17 : i1 to i32
    %sign3A_19 = arith.constant 0 : i32
    %sign3A_20 = arith.cmpi slt, %jit3A, %sign3A_19 : i32
    %sign3A_21 = arith.extui %sign3A_20 : i1 to i32
    %sign3A_22 = arith.subi %sign3A_18, %sign3A_21 : i32
    %ne3A = arith.cmpi ne, %sign3A_15, %sign3A_22 : i32
    %rem3A = arith.remsi %mul3A_9, %jit3A : i32
    %ne3A_23 = arith.constant 0 : i32
    %ne3A_24 = arith.cmpi ne, %rem3A, %ne3A_23 : i32
    %and3A = arith.andi %ne3A, %ne3A_24 : i1
    %sub3A = arith.constant 1 : i32
    %sub3A_25 = arith.subi %div3A, %sub3A : i32
    %select_n3A = arith.select %and3A, %sub3A_25, %div3A : i32
    %mul3A_26 = arith.constant 8 : i32
    %mul3A_27 = arith.muli %select_n3A, %mul3A_26 : i32
    %min3A = arith.constant 774992 : i32
    %min3A_28 = arith.minsi %mul3A_27, %min3A : i32
    %multiple_of3A = tpu.assume_multiple %min3A_28, 8 : i32
    %sub3A_29 = arith.subi %mul3A_9, %multiple_of3A : i32
    %add3A_30 = arith.constant 25000 : i32
    %add3A_31 = arith.addi %sub3A_29, %add3A_30 : i32
    "tpu.region"() ({
      %run_scoped3A = tpu.sem_alloc : memref<!tpu.dma_semaphore, #tpu.memory_space<semaphore_mem>>
      %dma_start3A_45 = tpu.memref_slice %arg2[%multiple_of3A] : memref<800000xi32, #tpu.memory_space<hbm>> -> memref<25008xi32, #tpu.memory_space<hbm>>
      %dma_start3A_46 = tpu.memref_slice %arg2[%multiple_of3A] : memref<800000xi32, #tpu.memory_space<hbm>> -> memref<25008xi32, #tpu.memory_space<hbm>>
      tpu.enqueue_dma source(%dma_start3A_46 : memref<25008xi32, #tpu.memory_space<hbm>>) target(%arg5 : memref<25008xi32, #tpu.memory_space<vmem>>) target_semaphore(%run_scoped3A : memref<!tpu.dma_semaphore, #tpu.memory_space<semaphore_mem>>)
      %dma_wait3A_47 = tpu.memref_slice %arg2[%multiple_of3A] : memref<800000xi32, #tpu.memory_space<hbm>> -> memref<25008xi32, #tpu.memory_space<hbm>>
      %dma_wait3A_48 = tpu.memref_slice %arg2[%multiple_of3A] : memref<800000xi32, #tpu.memory_space<hbm>> -> memref<25008xi32, #tpu.memory_space<hbm>>
      tpu.wait_dma2 semaphore(%run_scoped3A : memref<!tpu.dma_semaphore, #tpu.memory_space<semaphore_mem>>) src(%dma_wait3A_48 : memref<25008xi32, #tpu.memory_space<hbm>>) dst(%arg5 : memref<25008xi32, #tpu.memory_space<vmem>>)
      tpu.yield
    }) : () -> ()
    "tpu.region"() ({
      %run_scoped3A = tpu.sem_alloc : memref<!tpu.dma_semaphore, #tpu.memory_space<semaphore_mem>>
      %dma_start3A_45 = tpu.memref_slice %arg3[%multiple_of3A] : memref<800000xf32, #tpu.memory_space<hbm>> -> memref<25008xf32, #tpu.memory_space<hbm>>
      %dma_start3A_46 = tpu.memref_slice %arg3[%multiple_of3A] : memref<800000xf32, #tpu.memory_space<hbm>> -> memref<25008xf32, #tpu.memory_space<hbm>>
      tpu.enqueue_dma source(%dma_start3A_46 : memref<25008xf32, #tpu.memory_space<hbm>>) target(%arg6 : memref<25008xf32, #tpu.memory_space<vmem>>) target_semaphore(%run_scoped3A : memref<!tpu.dma_semaphore, #tpu.memory_space<semaphore_mem>>)
      %dma_wait3A_47 = tpu.memref_slice %arg3[%multiple_of3A] : memref<800000xf32, #tpu.memory_space<hbm>> -> memref<25008xf32, #tpu.memory_space<hbm>>
      %dma_wait3A_48 = tpu.memref_slice %arg3[%multiple_of3A] : memref<800000xf32, #tpu.memory_space<hbm>> -> memref<25008xf32, #tpu.memory_space<hbm>>
      tpu.wait_dma2 semaphore(%run_scoped3A : memref<!tpu.dma_semaphore, #tpu.memory_space<semaphore_mem>>) src(%dma_wait3A_48 : memref<25008xf32, #tpu.memory_space<hbm>>) dst(%arg6 : memref<25008xf32, #tpu.memory_space<vmem>>)
      tpu.yield
    }) : () -> ()
    %scan3A_32 = arith.constant 0 : i32
    %scan3A_33 = arith.constant 0 : i32
    %scan3A_34 = arith.constant 1563 : i32
    %scan3A_35 = arith.addi %scan3A_33, %scan3A_34 : i32
    %scan3A_36 = arith.constant 1 : i32
    scf.for %scan3A_45 = %scan3A_33 to %scan3A_35 step %scan3A_36  : i32 {
      %mul3A_46 = arith.constant 16 : i32
      %mul3A_47 = arith.muli %scan3A_45, %mul3A_46 : i32
      %iota3A = tpu.iota {dimensions = array<i32: 0>} : vector<16xi32>
      %add3A_48 = vector.broadcast %mul3A_47 : i32 to vector<16xi32>
      %add3A_49 = arith.addi %add3A_48, %iota3A : vector<16xi32>
      %ge3A = vector.broadcast %sub3A_29 : i32 to vector<16xi32>
      %ge3A_50 = arith.cmpi sge, %add3A_49, %ge3A : vector<16xi32>
      %lt3A = vector.broadcast %add3A_31 : i32 to vector<16xi32>
      %lt3A_51 = arith.cmpi slt, %add3A_49, %lt3A : vector<16xi32>
      %and3A_52 = arith.andi %ge3A_50, %lt3A_51 : vector<16xi1>
      %get3A = arith.index_cast %mul3A_47 : i32 to index
      %get3A_53 = tpu.vector_load %arg6[%get3A] {strides = array<i32>} : memref<25008xf32, #tpu.memory_space<vmem>>, vector<16xf32>,
      %get3A_54 = vector.shape_cast %get3A_53 : vector<16xf32> to vector<16xf32>
      %exp3A = math.exp %get3A_54 : vector<16xf32>
      %broadcast_in_dim3A = arith.constant 0.000000e+00 : f32
      %broadcast_in_dim3A_55 = vector.broadcast %broadcast_in_dim3A : f32 to vector<16xf32>
      %select_n3A_56 = arith.select %and3A_52, %exp3A, %broadcast_in_dim3A_55 : vector<16xi1>, vector<16xf32>
      %swap3A = arith.index_cast %mul3A_47 : i32 to index
      %swap3A_57 = tpu.vector_load %arg6[%swap3A] {strides = array<i32>} : memref<25008xf32, #tpu.memory_space<vmem>>, vector<16xf32>,
      %swap3A_58 = vector.shape_cast %swap3A_57 : vector<16xf32> to vector<16xf32>
      %swap3A_59 = vector.shape_cast %select_n3A_56 : vector<16xf32> to vector<16xf32>
      tpu.vector_store %arg6[%swap3A], %swap3A_59 {strides = array<i32>} : memref<25008xf32, #tpu.memory_space<vmem>>, vector<16xf32>,
    }
    %scan3A_37 = arith.constant 1563 : i32
    %barrier3A = arith.constant 0 : index
    tpu.barrier barrier_id(%barrier3A)
    %dma_start3A = arith.constant 0 : i32
    %dma_start3A_38 = tpu.memref_slice %arg8[%dma_start3A] : memref<51200xf32, #tpu.memory_space<vmem_shared>> -> memref<51200xf32, #tpu.memory_space<vmem_shared>>
    tpu.enqueue_indirect_dma source(%arg6 : memref<25008xf32, #tpu.memory_space<vmem>>) target(%dma_start3A_38 : memref<51200xf32, #tpu.memory_space<vmem_shared>>) offsets(%arg5 : memref<25008xi32, #tpu.memory_space<vmem>>) semaphore(%arg9 : memref<!tpu.dma_semaphore, #tpu.memory_space<semaphore_mem>>) {add = true}
    %dma_wait3A = arith.constant 0 : i32
    %dma_wait3A_39 = tpu.memref_slice %arg8[%dma_wait3A] : memref<51200xf32, #tpu.memory_space<vmem_shared>> -> memref<51200xf32, #tpu.memory_space<vmem_shared>>
    tpu.wait_indirect_dma semaphore(%arg9 : memref<!tpu.dma_semaphore, #tpu.memory_space<semaphore_mem>>) src(%arg6 : memref<25008xf32, #tpu.memory_space<vmem>>) dst(%dma_wait3A_39 : memref<51200xf32, #tpu.memory_space<vmem_shared>>)
    %barrier3A_40 = arith.constant 0 : index
    tpu.barrier barrier_id(%barrier3A_40)
    %mul3A_41 = arith.constant 3200 : i32
    %mul3A_42 = arith.muli %arg1, %mul3A_41 : i32
    %mul3A_43 = arith.constant 3200 : i32
    %mul3A_44 = arith.muli %arg1, %mul3A_43 : i32
    "tpu.region"() ({
      %run_scoped3A = tpu.sem_alloc : memref<!tpu.dma_semaphore, #tpu.memory_space<semaphore_mem>>
      %dma_start3A_45 = tpu.memref_slice %arg4[%arg0, %mul3A_44] : memref<2x51200xf32, #tpu.memory_space<hbm>> -> memref<1x3200xf32, #tpu.memory_space<hbm>>
      %dma_start3A_46 = tpu.memref_squeeze %dma_start3A_45 : memref<1x3200xf32, #tpu.memory_space<hbm>> -> memref<3200xf32, #tpu.memory_space<hbm>>
      %dma_start3A_47 = tpu.memref_slice %arg8[%mul3A_42] : memref<51200xf32, #tpu.memory_space<vmem_shared>> -> memref<3200xf32, #tpu.memory_space<vmem_shared>>
      tpu.enqueue_dma source(%dma_start3A_47 : memref<3200xf32, #tpu.memory_space<vmem_shared>>) target(%dma_start3A_46 : memref<3200xf32, #tpu.memory_space<hbm>>) target_semaphore(%run_scoped3A : memref<!tpu.dma_semaphore, #tpu.memory_space<semaphore_mem>>)
      %dma_wait3A_48 = tpu.memref_slice %arg4[%arg0, %mul3A_44] : memref<2x51200xf32, #tpu.memory_space<hbm>> -> memref<1x3200xf32, #tpu.memory_space<hbm>>
      %dma_wait3A_49 = tpu.memref_squeeze %dma_wait3A_48 : memref<1x3200xf32, #tpu.memory_space<hbm>> -> memref<3200xf32, #tpu.memory_space<hbm>>
      %dma_wait3A_50 = tpu.memref_slice %arg8[%mul3A_42] : memref<51200xf32, #tpu.memory_space<vmem_shared>> -> memref<3200xf32, #tpu.memory_space<vmem_shared>>
      tpu.wait_dma2 semaphore(%run_scoped3A : memref<!tpu.dma_semaphore, #tpu.memory_space<semaphore_mem>>) src(%dma_wait3A_50 : memref<3200xf32, #tpu.memory_space<vmem_shared>>) dst(%dma_wait3A_49 : memref<3200xf32, #tpu.memory_space<hbm>>)
      tpu.yield
    }) : () -> ()
    return
  }
}

module attributes {stable_mosaic.version = 14 : i64} {
  func.func @_rowsum_body(%arg0: i32, %arg1: memref<105x16000xf32, #tpu.memory_space<vmem>>, %arg2: memref<400000xf32, #tpu.memory_space<vmem>>) attributes {dimension_semantics = [#tpu.dimension_semantics<arbitrary>], iteration_bounds = array<i64: 25>, scalar_prefetch = 0 : i64, scratch_operands = 0 : i64, tpu.core_type = #tpu.core_type<tc>, window_params = [{transform_indices = @transform_0, window_bounds = array<i64: 105, 16000>}, {pipeline_mode = #tpu.pipeline_mode<synchronous>, transform_indices = @transform_1, window_bounds = array<i64: 400000>}]} {
    %get3A = arith.constant 0 : index
    %get3A_0 = arith.constant 0 : index
    %get3A_1 = vector.load %arg1[%get3A, %get3A_0] : memref<105x16000xf32, #tpu.memory_space<vmem>>, vector<105x16000xf32>
    %exp3A = math.exp %get3A_1 : vector<105x16000xf32>
    %reduce_sum3A = arith.constant dense<0.000000e+00> : vector<16000xf32>
    %reduce_sum3A_2 = vector.multi_reduction <add>, %exp3A, %reduce_sum3A [0] : vector<105x16000xf32> to vector<16000xf32>
    %mul3A = arith.constant 16000 : i32
    %mul3A_3 = arith.muli %arg0, %mul3A : i32
    %swap3A = arith.index_cast %mul3A_3 : i32 to index
    %swap3A_4 = vector.load %arg2[%swap3A] : memref<400000xf32, #tpu.memory_space<vmem>>, vector<16000xf32>
    tpu.vector_store %arg2[%swap3A], %reduce_sum3A_2 {strides = array<i32>} : memref<400000xf32, #tpu.memory_space<vmem>>, vector<16000xf32>,
    return
  }
  func.func @transform_0(%arg0: i32) -> (i32, i32) {
    %c0_i32 = arith.constant 0 : i32
    %c0_i32_0 = arith.constant 0 : i32
    return %c0_i32, %arg0 : i32, i32
  }
  func.func @transform_1(%arg0: i32) -> i32 {
    %c0_i32 = arith.constant 0 : i32
    %c0_i32_0 = arith.constant 0 : i32
    return %c0_i32 : i32
  }
}

module attributes {stable_mosaic.version = 14 : i64} {
  func.func @_final_body(%arg0: memref<2x51200xf32, #tpu.memory_space<vmem>>, %arg1: memref<2x51200xf32, #tpu.memory_space<vmem>>, %arg2: memref<1x50000xf32, #tpu.memory_space<vmem>>, %arg3: memref<1x50000xf32, #tpu.memory_space<vmem>>, %arg4: memref<1x50000xf32, #tpu.memory_space<vmem>>, %arg5: memref<1x1xf32, #tpu.memory_space<smem>>, %arg6: memref<1x1xf32, #tpu.memory_space<smem>>, %arg7: memref<1x1xf32, #tpu.memory_space<smem>>) attributes {dimension_semantics = [], scalar_prefetch = 0 : i64, scratch_operands = 0 : i64, tpu.core_type = #tpu.core_type<tc>} {
    %get3A = arith.constant 0 : index
    %get3A_0 = arith.constant 0 : index
    %get3A_1 = vector.load %arg0[%get3A, %get3A_0] : memref<2x51200xf32, #tpu.memory_space<vmem>>, vector<1x50000xf32>
    %get3A_2 = arith.constant 1 : index
    %get3A_3 = arith.constant 0 : index
    %get3A_4 = vector.load %arg0[%get3A_2, %get3A_3] : memref<2x51200xf32, #tpu.memory_space<vmem>>, vector<1x50000xf32>
    %add3A = arith.addf %get3A_1, %get3A_4 : vector<1x50000xf32>
    %add3A_5 = arith.constant 2.500000e-05 : f32
    %add3A_6 = vector.broadcast %add3A_5 : f32 to vector<1x50000xf32>
    %add3A_7 = arith.addf %add3A, %add3A_6 : vector<1x50000xf32>
    %log3A = math.log %add3A_7 : vector<1x50000xf32>
    %get3A_8 = arith.constant 0 : index
    %get3A_9 = arith.constant 0 : index
    %get3A_10 = vector.load %arg4[%get3A_8, %get3A_9] : memref<1x50000xf32, #tpu.memory_space<vmem>>, vector<1x50000xf32>
    %get3A_11 = arith.constant 0 : index
    %get3A_12 = arith.constant 0 : index
    %get3A_13 = vector.load %arg3[%get3A_11, %get3A_12] : memref<1x50000xf32, #tpu.memory_space<vmem>>, vector<1x50000xf32>
    %get3A_14 = arith.constant 0 : index
    %get3A_15 = arith.constant 0 : index
    %get3A_16 = vector.load %arg1[%get3A_14, %get3A_15] : memref<2x51200xf32, #tpu.memory_space<vmem>>, vector<1x50000xf32>
    %get3A_17 = arith.constant 1 : index
    %get3A_18 = arith.constant 0 : index
    %get3A_19 = vector.load %arg1[%get3A_17, %get3A_18] : memref<2x51200xf32, #tpu.memory_space<vmem>>, vector<1x50000xf32>
    %add3A_20 = arith.addf %get3A_16, %get3A_19 : vector<1x50000xf32>
    %get3A_21 = arith.constant 0 : index
    %get3A_22 = arith.constant 0 : index
    %get3A_23 = vector.load %arg2[%get3A_21, %get3A_22] : memref<1x50000xf32, #tpu.memory_space<vmem>>, vector<1x50000xf32>
    %exp3A = math.exp %get3A_23 : vector<1x50000xf32>
    %add3A_24 = arith.addf %add3A_20, %exp3A : vector<1x50000xf32>
    %add3A_25 = arith.constant 2.500000e-05 : f32
    %add3A_26 = vector.broadcast %add3A_25 : f32 to vector<1x50000xf32>
    %add3A_27 = arith.addf %add3A_26, %get3A_13 : vector<1x50000xf32>
    %sub3A = arith.constant 1.000000e+00 : f32
    %sub3A_28 = vector.broadcast %sub3A : f32 to vector<1x50000xf32>
    %sub3A_29 = arith.subf %sub3A_28, %get3A_10 : vector<1x50000xf32>
    %mul3A = arith.mulf %add3A_24, %sub3A_29 : vector<1x50000xf32>
    %add3A_30 = arith.addf %add3A_27, %mul3A : vector<1x50000xf32>
    %log3A_31 = math.log %add3A_30 : vector<1x50000xf32>
    %sub3A_32 = arith.subf %log3A, %log3A_31 : vector<1x50000xf32>
    %integer_pow3A = arith.mulf %sub3A_32, %sub3A_32 : vector<1x50000xf32>
    %sub3A_33 = arith.constant 1.000000e+00 : f32
    %sub3A_34 = vector.broadcast %sub3A_33 : f32 to vector<1x50000xf32>
    %sub3A_35 = arith.subf %sub3A_34, %get3A_10 : vector<1x50000xf32>
    %mul3A_36 = arith.mulf %integer_pow3A, %get3A_10 : vector<1x50000xf32>
    %reduce_sum3A = vector.shape_cast %mul3A_36 : vector<1x50000xf32> to vector<1x1x50000xf32>
    %reduce_sum3A_37 = arith.constant dense<0.000000e+00> : vector<1xf32>
    %reduce_sum3A_38 = vector.multi_reduction <add>, %reduce_sum3A, %reduce_sum3A_37 [1, 2] : vector<1x1x50000xf32> to vector<1xf32>
    %reduce_sum3A_39 = vector.shape_cast %reduce_sum3A_38 : vector<1xf32> to vector<1x1x1xf32>
    %reduce_sum3A_40 = vector.extract %reduce_sum3A_39[0, 0, 0] : f32 from vector<1x1x1xf32>
    %reduce_sum3A_41 = vector.shape_cast %get3A_10 : vector<1x50000xf32> to vector<1x1x50000xf32>
    %reduce_sum3A_42 = arith.constant dense<0.000000e+00> : vector<1xf32>
    %reduce_sum3A_43 = vector.multi_reduction <add>, %reduce_sum3A_41, %reduce_sum3A_42 [1, 2] : vector<1x1x50000xf32> to vector<1xf32>
    %reduce_sum3A_44 = vector.shape_cast %reduce_sum3A_43 : vector<1xf32> to vector<1x1x1xf32>
    %reduce_sum3A_45 = vector.extract %reduce_sum3A_44[0, 0, 0] : f32 from vector<1x1x1xf32>
    %add3A_46 = arith.constant 9.99999968E-21 : f32
    %add3A_47 = arith.addf %reduce_sum3A_45, %add3A_46 : f32
    %div3A = arith.divf %reduce_sum3A_40, %add3A_47 : f32
    %mul3A_48 = arith.mulf %integer_pow3A, %sub3A_35 : vector<1x50000xf32>
    %reduce_sum3A_49 = vector.shape_cast %mul3A_48 : vector<1x50000xf32> to vector<1x1x50000xf32>
    %reduce_sum3A_50 = arith.constant dense<0.000000e+00> : vector<1xf32>
    %reduce_sum3A_51 = vector.multi_reduction <add>, %reduce_sum3A_49, %reduce_sum3A_50 [1, 2] : vector<1x1x50000xf32> to vector<1xf32>
    %reduce_sum3A_52 = vector.shape_cast %reduce_sum3A_51 : vector<1xf32> to vector<1x1x1xf32>
    %reduce_sum3A_53 = vector.extract %reduce_sum3A_52[0, 0, 0] : f32 from vector<1x1x1xf32>
    %reduce_sum3A_54 = vector.shape_cast %sub3A_35 : vector<1x50000xf32> to vector<1x1x50000xf32>
    %reduce_sum3A_55 = arith.constant dense<0.000000e+00> : vector<1xf32>
    %reduce_sum3A_56 = vector.multi_reduction <add>, %reduce_sum3A_54, %reduce_sum3A_55 [1, 2] : vector<1x1x50000xf32> to vector<1xf32>
    %reduce_sum3A_57 = vector.shape_cast %reduce_sum3A_56 : vector<1xf32> to vector<1x1x1xf32>
    %reduce_sum3A_58 = vector.extract %reduce_sum3A_57[0, 0, 0] : f32 from vector<1x1x1xf32>
    %add3A_59 = arith.constant 9.99999968E-21 : f32
    %add3A_60 = arith.addf %reduce_sum3A_58, %add3A_59 : f32
    %div3A_61 = arith.divf %reduce_sum3A_53, %add3A_60 : f32
    %mul3A_62 = arith.constant 1.000000e+01 : f32
    %mul3A_63 = arith.mulf %div3A, %mul3A_62 : f32
    %add3A_64 = arith.addf %mul3A_63, %div3A_61 : f32
    %swap3A = arith.constant 0 : index
    %swap3A_65 = arith.constant 0 : index
    %swap3A_66 = memref.load %arg5[%swap3A, %swap3A_65] : memref<1x1xf32, #tpu.memory_space<smem>>
    memref.store %add3A_64, %arg5[%swap3A, %swap3A_65] : memref<1x1xf32, #tpu.memory_space<smem>>
    %swap3A_67 = arith.constant 0 : index
    %swap3A_68 = arith.constant 0 : index
    %swap3A_69 = memref.load %arg6[%swap3A_67, %swap3A_68] : memref<1x1xf32, #tpu.memory_space<smem>>
    memref.store %div3A, %arg6[%swap3A_67, %swap3A_68] : memref<1x1xf32, #tpu.memory_space<smem>>
    %swap3A_70 = arith.constant 0 : index
    %swap3A_71 = arith.constant 0 : index
    %swap3A_72 = memref.load %arg7[%swap3A_70, %swap3A_71] : memref<1x1xf32, #tpu.memory_space<smem>>
    memref.store %div3A_61, %arg7[%swap3A_70, %swap3A_71] : memref<1x1xf32, #tpu.memory_space<smem>>
    return
  }
}

</mosaic_0001>

<sc_bundles>
// kernel: kernel.6.cloned.1.call-start
scs
__scs_entry_jumppad:
0x0: {  	(pc) =	sbr.rel $0x88, $3  }
0x1: {  	(tag) =	ssettag $0x0;
	lr =	simm.s32 $0x1  }
0x2: {  	[smem:$0x3F9A] =	sst lr;
	_ =	strace $0xD0000000  }
0x3: {  	_ = 	snop  }
0x4: {  	_ = 	snop  }
0x5: {  	_ = 	snop  }
0x6: {  	_ = 	snop  }
0x7: {  	_ = 	snop  }
__scs_overlays_trampoline_lowered:
0x8: {  	[smem:$0x3FA9] =	sst s0  }
0x9: {  	[smem:$0x3FAA] =	sst s1  }
0xa: {  	[smem:$0x3FAB] =	sst s2  }
0xb: {  	[smem:$0x3FAC] =	sst s3  }
0xc: {  	[smem:$0x3FAD] =	sst s4  }
0xd: {  	[smem:$0x3FAE] =	sst s5  }
0xe: {  	[smem:$0x3FAF] =	sst s6  }
0xf: {  	[smem:$0x3FB0] =	sst s7  }
0x10: {  	[smem:$0x3FB1] =	sst s8  }
0x11: {  	[smem:$0x3FB2] =	sst s9;
	s0 =	simm.s32 @!p0 $0x0  }
0x12: {  	s1 =	sld [smem:$0x3F98];
	s0 =	simm.s32 @p0 $0x1  }
0x13: {  	[smem:$0x3FB3] =	sst s0;
	s0 =	simm.s32 @!p1 $0x0  }
0x14: {  	s2 =	sld [smem:$0x3F97];
	s0 =	simm.s32 @p1 $0x1  }
0x15: {  	[smem:$0x3FB4] =	sst s0;
	s0 =	simm.s32 @!p2 $0x0  }
0x16: {  	s3 =	sld [smem:$0x3FDB];
	s0 =	simm.s32 @p2 $0x1  }
0x17: {  	s4 =	simm.s32 $0x1BF5;
	[smem:$0x3FB6] =	sst s0  }
0x18: {  	s0 =	sld [smem:$0x3F99];
	_ =	swait.ge [sflag:s4], $0x0  }
0x19: {  	s7 =	sld [smem:$0x3F9A]  }
0x1a: {  	s8 =	sadd.s32 $0xFFFFE003, lr  }
0x1b: {  	s9 =	sadd.s32 $0xFFFFFEF7, lr;
	s5 =	simm.s32 $0xFFFFFFFF;
	p2 =	slt.u32 s8, $0xFFFFF086  }
0x1c: {  	p1 =	slt.u32 s9, $0xF7A;
	s5 =	simm.s32 @!p2 $0x0  }
0x1d: {  	s5 =	simm.s32 @p1 $0x1;
	p0 =	seq.s32 s7, s2  }
0x1e: {  	s7 =	smul.u32 @!p0 $0xF7A, s2;
	p2 =	seq.s32 @!p0 s5, $0x0  }
0x1f: {  	s9 =	smul.u32 $0xF7A, s1;
	s8 =	simm.s32 @!p0 $0x1BF5;
	p2 =	por !p2, p0  }
0x20: {  	[sflag:s8] =	ssyncset.s32 @!p0 $0xFFFFF086;
	s6 =	sadd.s32 @!p0 s3, s7;
	s7 =	simm.s32 @!p0 $0x108  }
0x21: {  	s3 =	sadd.s32 s3, s9;
	s6 =	sadd.s32 @!p0 $0x88, s6;
	s7 =	simm.s32 @p2 $0x1082  }
0x22: {  	[simem:s7], [sflag:s8] =	dma.local @!p0 [hbm:s6], $0xF7A  }
0x23: {  	s9 =	sor.u32 $0xD0000000, s2;
	s6 =	simm.s32 $0x108;
	_ =	swait.ge @!p0 [sflag:s8], $0x0  }
0x24: {  	s3 =	sadd.s32 $0x88, s3;
	s6 =	simm.s32 @!p1 $0x1082;
	[sflag:s4] =	ssyncset.s32 $0xFFFFF086  }
0x25: {  	[simem:s6], [sflag:s4] =	dma.local [hbm:s3], $0xF7A  }
0x26: {  	[smem:$0x3F9A] =	sst s1;
	(tag) =	ssettag s2;
	_ =	strace s9  }
0x27: {  	s1 =	sld [smem:$0x3FAA]  }
0x28: {  	s2 =	sld [smem:$0x3FAB]  }
0x29: {  	s4 =	sld [smem:$0x3FAD]  }
0x2a: {  	p0 =	seq.s32 s5, $0x0;
	s5 =	sld [smem:$0x3FAE]  }
0x2b: {  	s6 =	sld [smem:$0x3FAF]  }
0x2c: {  	s7 =	sld [smem:$0x3FB0]  }
0x2d: {  	s3 =	simm.s32 $0x108;
	s8 =	sld [smem:$0x3FB1]  }
0x2e: {  	s3 =	simm.s32 @!p0 $0x1082;
	s9 =	sld [smem:$0x3FB2]  }
0x2f: {  	lr =	sadd.s32 s0, s3;
	s0 =	sld [smem:$0x3FA9]  }
0x30: {  	s3 =	sld [smem:$0x3FAC]  }
0x31: {  	[smem:$0x3FB5] =	sst s10  }
0x32: {  	s10 =	sld [smem:$0x3FB3];
	_ =	sdelay $0x3  }
0x33: {  	p0 =	seq.s32 s10, $0x1;
	s10 =	sld [smem:$0x3FB5];
	_ =	sdelay $0x3  }
0x34: {  	[smem:$0x3FB5] =	sst s10  }
0x35: {  	s10 =	sld [smem:$0x3FB4];
	_ =	sdelay $0x3  }
0x36: {  	p1 =	seq.s32 s10, $0x1;
	s10 =	sld [smem:$0x3FB5];
	_ =	sdelay $0x3  }
0x37: {  	[smem:$0x3FB5] =	sst s10  }
0x38: {  	s10 =	sld [smem:$0x3FB6]  }
0x39: {  	_ = 	snop;
	(pc) =	sbr.ind lr, $3  }
0x3a: {  	_ = 	snop  }
0x3b: {  	_ = 	snop  }
0x3c: {  	p2 =	seq.s32 s10, $0x1;
	s10 =	sld [smem:$0x3FB5]  }
0x3d: {  	_ =	shalt  }
0x3e: {  	_ =	shalt  }
0x3f: {  	_ =	shalt  }
0x40: {  	_ =	shalt  }
0x41: {  	_ =	shalt  }
0x42: {  	_ =	shalt  }
0x43: {  	_ =	shalt  }
0x44: {  	_ =	shalt  }
0x45: {  	_ =	shalt  }
0x46: {  	_ =	shalt  }
0x47: {  	_ =	shalt  }
0x48: {  	_ =	shalt  }
0x49: {  	_ =	shalt  }
0x4a: {  	_ =	shalt  }
0x4b: {  	_ =	shalt  }
0x4c: {  	_ =	shalt  }
0x4d: {  	_ =	shalt  }
0x4e: {  	_ =	shalt  }
0x4f: {  	_ =	shalt  }
0x50: {  	_ =	shalt  }
0x51: {  	_ =	shalt  }
0x52: {  	_ =	shalt  }
0x53: {  	_ =	shalt  }
0x54: {  	_ =	shalt  }
0x55: {  	_ =	shalt  }
0x56: {  	_ =	shalt  }
0x57: {  	_ =	shalt  }
0x58: {  	_ =	shalt  }
0x59: {  	_ =	shalt  }
0x5a: {  	_ =	shalt  }
0x5b: {  	_ =	shalt  }
0x5c: {  	_ =	shalt  }
0x5d: {  	_ =	shalt  }
0x5e: {  	_ =	shalt  }
0x5f: {  	_ =	shalt  }
0x60: {  	_ =	shalt  }
0x61: {  	_ =	shalt  }
0x62: {  	_ =	shalt  }
0x63: {  	_ =	shalt  }
0x64: {  	_ =	shalt  }
0x65: {  	_ =	shalt  }
0x66: {  	_ =	shalt  }
0x67: {  	_ =	shalt  }
0x68: {  	_ =	shalt  }
0x69: {  	_ =	shalt  }
0x6a: {  	_ =	shalt  }
0x6b: {  	_ =	shalt  }
0x6c: {  	_ =	shalt  }
0x6d: {  	_ =	shalt  }
0x6e: {  	_ =	shalt  }
0x6f: {  	_ =	shalt  }
0x70: {  	_ =	shalt  }
0x71: {  	_ =	shalt  }
0x72: {  	_ =	shalt  }
0x73: {  	_ =	shalt  }
0x74: {  	_ =	shalt  }
0x75: {  	_ =	shalt  }
0x76: {  	_ =	shalt  }
0x77: {  	_ =	shalt  }
0x78: {  	_ =	shalt  }
0x79: {  	_ =	shalt  }
0x7a: {  	_ =	shalt  }
0x7b: {  	_ =	shalt  }
0x7c: {  	_ =	shalt  }
0x7d: {  	_ =	shalt  }
0x7e: {  	_ =	shalt  }
0x7f: {  	_ =	shalt  }
0x80: {  	_ =	shalt  }
0x81: {  	_ =	shalt  }
0x82: {  	_ =	shalt  }
0x83: {  	_ =	shalt  }
0x84: {  	_ =	shalt  }
0x85: {  	_ =	shalt  }
0x86: {  	_ =	shalt  }
0x87: {  	_ =	shalt  }
.Lfunc_end0:
.L_simem_size_0:
called_computation_lowered:
.L_overlay_start_0:
0x88: {  	s2 =	sld [smem:$0x3FD9]  }
0x89: {  	s3 =	sld [smem:$0x3FFE];
	_ =	sdelay $0x1  }
0x8a: {  	s1 =	srdreg.scid  }
0x8b: {  	s0 =	sand.u32 $0x1, s1  }
0x8c: {  	s17 =	sshll.u32 s0, $0xA;
	s2 =	sadd.s32 s3, s2  }
0x8d: {  	s2 =	sadd.s32 s2, s17  }
0x8e: {  	[smem:$0x3FC1] =	sst s2  }
0x8f: {  	_ = 	snop  }
0x90: {  	s2 =	sld [smem:$0x3FC7]  }
0x91: {  	s18 =	sld [smem:$0x3FC4];
	(tm) =	ssettm $0x1  }
0x92: {  	s4 =	sld [smem:$0x3FFB];
	_ =	sdelay $0x3  }
0x93: {  	_ =	strace s4  }
0x94: {  	s4 =	sld [smem:$0x3FFC];
	_ =	sdelay $0x3  }
0x95: {  	_ =	strace s4  }
0x96: {  	s4 =	sld [smem:$0x3FFD];
	_ =	sdelay $0x3  }
0x97: {  	_ =	strace s4  }
0x98: {  	_ =	strace $0x8FFFFFFF  }
0x99: {  	s19 =	sld [smem:$0x3FDB];
	_ =	sdelay $0x1  }
0x9a: {  	s5 =	simm.s32 $_scs_section_size  }
0x9b: {  	s6 =	simm.s32 $_size__tile_overlayer_lowered;
	s7 =	simm.s32 $_tile_overlayer_lowered  }
0x9c: {  	s22 =	simm.s32 $0x1BFF;
	s21 =	sshll.u32 s7, $0x1;
	s4 =	sadd.s32 s5, s19  }
0x9d: {  	s8 =	simm.s32 $0x0;
	s20 =	sshll.u32 s6, $0x1;
	s6 =	sadd.s32 s21, s4  }
0x9e: {  	[timem:s8], [sflag:s22] =	dma.local [hbm:s6], s20  }
0x9f: {  	_ =	swait.ge [sflag:s22], s20  }
0xa0: {  	s5 =	ssub.s32 $0x0, s20;
	[sflag:s22] =	ssyncset.done $0x0  }
0xa1: {  	[sflag:s22] =	ssyncadd.s32 s5;
	_ =	sdelay $0x1  }
0xa2: {  	s23 =	simm.s32 $0x1B8B  }
0xa3: {  	_ =	swait.ge [sflag:s23], $0x1  }
0xa4: {  	[sflag:s23] =	ssyncset.done $0x0  }
0xa5: {  	s25 =	simm.s32 $0x1B8E;
	s24 =	sld [smem:$0x3FFE];
	[sflag:s23] =	ssyncadd.s32 $0xFFFFFFFF  }
0xa6: {  	s26 =	simm.s32 $execute0_lowered;
	[smem:$0x3FD2] =	sst s25  }
0xa7: {  	s6 =	sshll.u32 s26, $0x1;
	_ =	strace $0x80000046;
	[dreg:$0x1] =	wrdreg $0xFFFFFFFF  }
0xa8: {  	s28 =	simm.s32 $_size_execute0_lowered;
	s4 =	sadd.s32 s4, s6;
	[dreg:$0x0] =	wrdreg $0x0  }
0xa9: {  	s6 =	sshll.u32 s28, $0x1;
	[dreg:$0x2] =	wrdreg s4  }
0xaa: {  	[dreg:$0x3] =	wrdreg s6  }
0xab: {  	[dreg:$0x4] =	wrdreg $0xC0  }
0xac: {  	_ =	task [dreg:s8], $0x5FFFF  }
0xad: {  	[dreg:$0x1] =	wrdreg $0xFFFFFFFF  }
0xae: {  	[dreg:$0x0] =	wrdreg $0x60  }
0xaf: {  	[dreg:$0x2] =	wrdreg s18  }
0xb0: {  	[dreg:$0x3] =	wrdreg s2  }
0xb1: {  	[dreg:$0x4] =	wrdreg s24  }
0xb2: {  	[dreg:$0x5] =	wrdreg $0xD0800  }
0xb3: {  	[dreg:$0x6] =	wrdreg $0x9  }
0xb4: {  	_ =	task.clear_ibuf [dreg:s8], $0x7FFFF;
	_ =	strace $0x90000046  }
0xb5: {  	s29 =	simm.s32 $0x9;
	_ =	strace $0x80000048  }
0xb6: {  	_ =	swait.ge [sflag:s29], $0x1  }
0xb7: {  	[sflag:s29] =	ssyncadd.s32 $0xFFFFFFFF  }
0xb8: {  	_ =	strace $0x90000048  }
0xb9: {  	_ =	sfence  }
0xba: {  	s30 =	sld [smem:$0x0];
	_ =	sdelay $0x2  }
0xbb: {  	s31 =	sshll.u32 s1, $0xD;
	s1 =	sshrl.u32 s1, $0x2  }
0xbc: {  	s3 =	sand.u32 $0x4000, s31;
	s1 =	sadd.s32 s1, s30  }
0xbd: {  	s0 =	sor.u32 s3, s0;
	s1 =	sshll.u32 s1, $0x11  }
0xbe: {  	s0 =	sor.u32 s1, s0  }
0xbf: {  	s0 =	sadd.s32 $0x8F2B, s0  }
0xc0: {  	[sflag:s0] =	ssyncadd.remote.s32 $0x1  }
0xc1: {  	_ =	sfence.sel $0xFFFF  }
0xc2: {  	[dreg:$0x0] =	wrdreg $0xFFFFFFFF;
	(pc) =	sbr.abs _section_cstart, $3  }
0xc3: {  	[dreg:$0x1] =	wrdreg $0xFFFFFFFF  }
0xc4: {  	_ =	task.clear_ibuf [dreg:s8], $0x2FFFF;
	_ =	strace $0x9FFFFFFF  }
0xc5: {  	(tm) =	ssettm $0x7FFFFFFF  }
tec
execute0_lowered:
.L_overlay_start_1:
0x0: {  	(tag) =	ssettag $0x1  }
0x1: {  	s5 =	rddreg [dreg:$0x0]  }
0x2: {  	s6 =	rddreg [dreg:$0x1]  }
0x3: {  	s4 =	rddreg [dreg:$0x2]  }
0x4: {  	s2 =	rddreg [dreg:$0x3]  }
0x5: {  	s0 =	rddreg [dreg:$0x4]  }
0x6: {  	s3 =	simm.s32 $0x0;
	s7 =	srdreg.scid;
	s1 =	stileid.u32  }
0x7: {  	s17 =	simm.s32 $0x10;
	s18 =	simm.s32 $0x0;
	s7 =	sand.u32 $0x1, s7  }
0x8: {  	s8 =	smul.u32 $0x1900, s1;
	s9 =	sshll.u32 s1, $0x1;
	[smem:$0x7FF] =	sst s3  }
0x9: {  	s28 =	smul.u32 $0x3200, s1;
	s14 =	sshll.u32 s1, $0x6;
	s10 =	sshll.u32 s7, $0x7  }
0xa: {  	s9 =	sor.u32 s7, s9;
	_ =	strace $0x80000047;
	s7 =	ssub.s32 $0x2, s7  }
0xb: {  	s14 =	sor.u32 $0x1C02, s14;
	s8 =	sor.u32 s10, s8;
	s9 =	smul.u32 $0x61A8, s9  }
0xc: {  	s29 =	sshrl.u32 s7, $0x1;
	s30 =	sshrl.u32 s28, $0x2;
	s10 =	simm.s32 $0x2  }
0xd: {  	s8 =	sshrl.u32 s8, $0x3;
	s12 =	ssub.s32 s7, s29;
	s11 =	smin.u32 s9, $0xBD350  }
0xe: {  	s8 =	sadd.s32 s8, s4;
	s4 =	sadd.s32 s30, s2;
	s13 =	ssub.s32 s9, s11  }
0xf: {  	s31 =	sshrl.u32 s11, $0x3;
	s7 =	sadd.s32 $0x1600, s8;
	s8 =	smax.u32 s12, $0x1  }
0x10: {  	s9 =	simm.s32 $0xC400;
	s11 =	simm.s32 $0x61B0;
	s12 =	simm.s32 $0x6200  }
0x11: {  	v2 =	vimm.f32 $0.0e+00;
	s15 =	sshrl.u32 s4, $0x3;
	s16 =	sadd.s32 $0x61A8, s13;
	s5 =	sadd.s32 s5, s31  }
0x12: {  	v3 =	vlaneseq.u32;
	s6 =	sadd.s32 s6, s31;
	v0 =	vmov s13;
	s13 =	simm.s32 $0x1;
	v1 =	vmov s16;
	s16 =	simm.s32 $0x20  }
.LBB2_1:
0x13: {  	s19 =	simm.s32 $0x40;
	s20 =	simm.s32 $0x0  }
.LBB2_2:
0x14: {  	p0 =	sne.s32 s19, $0x31C0;
	[tilespmem:s20+$0xC400] =	vst v2;
	s20 =	smov.u32 s19;
	s19 =	sadd.s32 $0x40, s19  }
.Ltmp0:
0x15: {  	(pc) =	sbr.rel @p0 .LBB2_2-.Ltmp0, $2  }
0x16: {  	_ =	sdelay $0x2  }
0x17: {  	s20 =	sshra.s32 s20, $0x2  }
0x18: {  	[tilespmem:s20+$0xC400] =	vst v2  }
0x19: {  	[spmem:s4] =	stream.linear.scatter [tilespmem:s9], [sflag:$0x2], $0xC80, $0x38;
	[tilespmem:$0xDD00] =	vst v63  }
0x1a: {  	_ =	swait.ge [sflag:s10], $0xC80  }
0x1b: {  	[sflag:s10] =	ssyncset.done $0x0  }
0x1c: {  	s20 =	simm.s32 $0x0;
	[sflag:s10] =	ssyncadd.s32 $0xFFFFF380  }
0x1d: {  	[tilespmem:s20], [sflag:$0x2] =	stream.linear.gather [hbm4b:s5+s20], $0x61B0, $0x38;
	[tilespmem:$0xDD00] =	vst v63  }
0x1e: {  	_ =	swait.ge [sflag:s10], $0x61B0  }
0x1f: {  	[sflag:s10] =	ssyncset.done $0x0  }
0x20: {  	s19 =	simm.s32 $0x6200;
	[sflag:s10] =	ssyncadd.s32 $0xFFFF9E50  }
0x21: {  	[tilespmem:s19], [sflag:$0x2] =	stream.linear.gather [hbm4b:s6+s20], $0x61B0, $0x38;
	[tilespmem:$0xDD00] =	vst v63  }
0x22: {  	_ =	swait.ge [sflag:s10], $0x61B0  }
0x23: {  	[sflag:s10] =	ssyncset.done $0x0  }
0x24: {  	[sflag:s10] =	ssyncadd.s32 $0xFFFF9E50  }
0x25: {  	s21 =	simm.s32 $0x10;
	v4 =	vld [tilespmem:s19+$0x0]  }
.LBB2_4:
0x26: {  	p0 =	sne.s32 s21, $0x61A0;
	_ =	sdelay $0x3  }
0x27: {  	v4 =	vmul.f32 $1.442695020e+00, v4;
	_ =	sdelay $0x1  }
0x28: {  	(erf) = vpow2.f32 v4;
	_ =	sdelay $0x6  }
0x29: {  	v5 =	vor.u32 s20, v3;
	s20 =	smov.u32 s21  }
.Ltmp1:
0x2a: {  	vm0 =	vge.u32 v5, v0;
	vm1 =	vlt.u32 v5, v1;
	(pc) =	sbr.rel @p0 .LBB2_4-.Ltmp1, $4  }
0x2b: {  	vm0 =	vmand vm0, vm1;
	v4 =	vpop (erf)  }
0x2c: {  	v4 =	vnsel vm0, $0x0, v4  }
0x2d: {  	[tilespmem:s19+$0x0] =	vst v4;
	s19 =	sadd.s32 $0x10, s19  }
0x2e: {  	s21 =	sadd.s32 $0x10, s21;
	v4 =	vld [tilespmem:s19+$0x0]  }
0x2f: {  	_ =	sdelay $0x3  }
0x30: {  	v4 =	vmul.f32 $1.442695020e+00, v4;
	_ =	sdelay $0x1  }
0x31: {  	(erf) = vpow2.f32 v4;
	_ =	sdelay $0x5  }
0x32: {  	v4 =	vor.u32 s20, v3;
	_ =	sdelay $0x1  }
0x33: {  	vm0 =	vge.u32 v4, v0;
	vm1 =	vlt.u32 v4, v1  }
0x34: {  	vm0 =	vmand vm0, vm1;
	v4 =	vpop (erf)  }
0x35: {  	v4 =	vnsel vm0, $0x0, v4  }
0x36: {  	[tilespmem:s19+$0x0] =	vst v4  }
0x37: {  	[bflag:$0x0] =	sbarrier.arrive $0xFFFF  }
0x38: {  	[spmem:s2] =	stream.indirect.scatter.add.f32 [tilespmem:s12], [sflag:$0x1], $0x1, s3, s11, $0xb8;
	[tilespmem:$0xDD00] =	vst v63  }
0x39: {  	_ =	swait.ge [sflag:s13], $0x61B0  }
0x3a: {  	s18 =	sadd.s32 $0x1, s18;
	[sflag:s13] =	ssyncset.done $0x0  }
0x3b: {  	p0 =	sne.s32 s18, s8;
	[sflag:s13] =	ssyncadd.s32 $0xFFFF9E50  }
.Ltmp2:
0x3c: {  	[bflag:$0x0] =	sbarrier.arrive $0xFFFF;
	(pc) =	sbr.rel @p0 .LBB2_1-.Ltmp2, $4  }
0x3d: {  	[hbm:s7@s16], [sflag:s14] =	dma.strided [spmem:s15@s17], $0x190, s13, $0x10   }
0x3e: {  	_ =	swait.ge [sflag:s10], $0x190  }
0x3f: {  	[sflag:s10] =	ssyncset.done $0x0  }
0x40: {  	[sflag:s10] =	ssyncadd.s32 $0xFFFFFE70  }
0x41: {  	_ =	sfence.sel $0x180000  }
0x42: {  	[bflag:$0x0] =	sbarrier.arrive $0xFFFF  }
0x43: {  	p0 =	sne.s32 s1, $0x0;
	_ =	strace $0x90000047  }
0x44: {  	s0 =	sadd.s32 @!p0 $0x100000, s0;
	[bflag:$0x2] =	sbarrier.arrive $0xFFFF  }
0x45: {  	[sflag:s0] =	ssyncadd.tile.s32 @!p0 $0x1;
	_ =	shalt  }
.Lfunc_end2:
_tile_overlayer_lowered:
.L_overlay_start_2:
0x46: {  	(tag) =	ssettag $0x2  }
0x47: {  	s0 =	rddreg [dreg:$0x0];
	s2 =	stileid.u32  }
0x48: {  	s1 =	rddreg [dreg:$0x1];
	p0 =	sne.s32 s2, $0x0  }
0x49: {  	s3 =	rddreg [dreg:$0x2];
	[bflag:$0x3] =	sbarrier.arrive $0xFFFF;
	s2 =	simm.s32 @!p0 $0x1C02  }
0x4a: {  	[timem:s3], [sflag:s2] =	dma.local @!p0 [hbm:s0], s1  }
0x4b: {  	s0 =	simm.s32 @!p0 $0x2  }
0x4c: {  	_ =	swait.ge @!p0 [sflag:s0], s1  }
0x4d: {  	s1 =	ssub.s32 @!p0 $0x0, s1;
	[sflag:s0] =	ssyncset.done @!p0 $0x0  }
0x4e: {  	[sflag:s0] =	ssyncadd.s32 @!p0 s1  }
0x4f: {  	[bflag:$0x3] =	sbarrier.arrive $0xFFFF  }
0x50: {  	_ =	shalt  }

// kernel: kernel.9.cloned.1.call-start
scs
__scs_entry_jumppad:
0x0: {  	(pc) =	sbr.rel $0x88, $3  }
0x1: {  	(tag) =	ssettag $0x0;
	lr =	simm.s32 $0x1  }
0x2: {  	[smem:$0x3F9A] =	sst lr;
	_ =	strace $0xD0000000  }
0x3: {  	_ = 	snop  }
0x4: {  	_ = 	snop  }
0x5: {  	_ = 	snop  }
0x6: {  	_ = 	snop  }
0x7: {  	_ = 	snop  }
__scs_overlays_trampoline_lowered:
0x8: {  	[smem:$0x3FA9] =	sst s0  }
0x9: {  	[smem:$0x3FAA] =	sst s1  }
0xa: {  	[smem:$0x3FAB] =	sst s2  }
0xb: {  	[smem:$0x3FAC] =	sst s3  }
0xc: {  	[smem:$0x3FAD] =	sst s4  }
0xd: {  	[smem:$0x3FAE] =	sst s5  }
0xe: {  	[smem:$0x3FAF] =	sst s6  }
0xf: {  	[smem:$0x3FB0] =	sst s7  }
0x10: {  	[smem:$0x3FB1] =	sst s8  }
0x11: {  	[smem:$0x3FB2] =	sst s9;
	s0 =	simm.s32 @!p0 $0x0  }
0x12: {  	s1 =	sld [smem:$0x3F98];
	s0 =	simm.s32 @p0 $0x1  }
0x13: {  	[smem:$0x3FB3] =	sst s0;
	s0 =	simm.s32 @!p1 $0x0  }
0x14: {  	s2 =	sld [smem:$0x3F97];
	s0 =	simm.s32 @p1 $0x1  }
0x15: {  	[smem:$0x3FB4] =	sst s0;
	s0 =	simm.s32 @!p2 $0x0  }
0x16: {  	s3 =	sld [smem:$0x3FDB];
	s0 =	simm.s32 @p2 $0x1  }
0x17: {  	s4 =	simm.s32 $0x1BF5;
	[smem:$0x3FB6] =	sst s0  }
0x18: {  	s0 =	sld [smem:$0x3F99];
	_ =	swait.ge [sflag:s4], $0x0  }
0x19: {  	s7 =	sld [smem:$0x3F9A]  }
0x1a: {  	s8 =	sadd.s32 $0xFFFFE003, lr  }
0x1b: {  	s9 =	sadd.s32 $0xFFFFFEF7, lr;
	s5 =	simm.s32 $0xFFFFFFFF;
	p2 =	slt.u32 s8, $0xFFFFF086  }
0x1c: {  	p1 =	slt.u32 s9, $0xF7A;
	s5 =	simm.s32 @!p2 $0x0  }
0x1d: {  	s5 =	simm.s32 @p1 $0x1;
	p0 =	seq.s32 s7, s2  }
0x1e: {  	s7 =	smul.u32 @!p0 $0xF7A, s2;
	p2 =	seq.s32 @!p0 s5, $0x0  }
0x1f: {  	s9 =	smul.u32 $0xF7A, s1;
	s8 =	simm.s32 @!p0 $0x1BF5;
	p2 =	por !p2, p0  }
0x20: {  	[sflag:s8] =	ssyncset.s32 @!p0 $0xFFFFF086;
	s6 =	sadd.s32 @!p0 s3, s7;
	s7 =	simm.s32 @!p0 $0x108  }
0x21: {  	s3 =	sadd.s32 s3, s9;
	s6 =	sadd.s32 @!p0 $0x88, s6;
	s7 =	simm.s32 @p2 $0x1082  }
0x22: {  	[simem:s7], [sflag:s8] =	dma.local @!p0 [hbm:s6], $0xF7A  }
0x23: {  	s9 =	sor.u32 $0xD0000000, s2;
	s6 =	simm.s32 $0x108;
	_ =	swait.ge @!p0 [sflag:s8], $0x0  }
0x24: {  	s3 =	sadd.s32 $0x88, s3;
	s6 =	simm.s32 @!p1 $0x1082;
	[sflag:s4] =	ssyncset.s32 $0xFFFFF086  }
0x25: {  	[simem:s6], [sflag:s4] =	dma.local [hbm:s3], $0xF7A  }
0x26: {  	[smem:$0x3F9A] =	sst s1;
	(tag) =	ssettag s2;
	_ =	strace s9  }
0x27: {  	s1 =	sld [smem:$0x3FAA]  }
0x28: {  	s2 =	sld [smem:$0x3FAB]  }
0x29: {  	s4 =	sld [smem:$0x3FAD]  }
0x2a: {  	p0 =	seq.s32 s5, $0x0;
	s5 =	sld [smem:$0x3FAE]  }
0x2b: {  	s6 =	sld [smem:$0x3FAF]  }
0x2c: {  	s7 =	sld [smem:$0x3FB0]  }
0x2d: {  	s3 =	simm.s32 $0x108;
	s8 =	sld [smem:$0x3FB1]  }
0x2e: {  	s3 =	simm.s32 @!p0 $0x1082;
	s9 =	sld [smem:$0x3FB2]  }
0x2f: {  	lr =	sadd.s32 s0, s3;
	s0 =	sld [smem:$0x3FA9]  }
0x30: {  	s3 =	sld [smem:$0x3FAC]  }
0x31: {  	[smem:$0x3FB5] =	sst s10  }
0x32: {  	s10 =	sld [smem:$0x3FB3];
	_ =	sdelay $0x3  }
0x33: {  	p0 =	seq.s32 s10, $0x1;
	s10 =	sld [smem:$0x3FB5];
	_ =	sdelay $0x3  }
0x34: {  	[smem:$0x3FB5] =	sst s10  }
0x35: {  	s10 =	sld [smem:$0x3FB4];
	_ =	sdelay $0x3  }
0x36: {  	p1 =	seq.s32 s10, $0x1;
	s10 =	sld [smem:$0x3FB5];
	_ =	sdelay $0x3  }
0x37: {  	[smem:$0x3FB5] =	sst s10  }
0x38: {  	s10 =	sld [smem:$0x3FB6]  }
0x39: {  	_ = 	snop;
	(pc) =	sbr.ind lr, $3  }
0x3a: {  	_ = 	snop  }
0x3b: {  	_ = 	snop  }
0x3c: {  	p2 =	seq.s32 s10, $0x1;
	s10 =	sld [smem:$0x3FB5]  }
0x3d: {  	_ =	shalt  }
0x3e: {  	_ =	shalt  }
0x3f: {  	_ =	shalt  }
0x40: {  	_ =	shalt  }
0x41: {  	_ =	shalt  }
0x42: {  	_ =	shalt  }
0x43: {  	_ =	shalt  }
0x44: {  	_ =	shalt  }
0x45: {  	_ =	shalt  }
0x46: {  	_ =	shalt  }
0x47: {  	_ =	shalt  }
0x48: {  	_ =	shalt  }
0x49: {  	_ =	shalt  }
0x4a: {  	_ =	shalt  }
0x4b: {  	_ =	shalt  }
0x4c: {  	_ =	shalt  }
0x4d: {  	_ =	shalt  }
0x4e: {  	_ =	shalt  }
0x4f: {  	_ =	shalt  }
0x50: {  	_ =	shalt  }
0x51: {  	_ =	shalt  }
0x52: {  	_ =	shalt  }
0x53: {  	_ =	shalt  }
0x54: {  	_ =	shalt  }
0x55: {  	_ =	shalt  }
0x56: {  	_ =	shalt  }
0x57: {  	_ =	shalt  }
0x58: {  	_ =	shalt  }
0x59: {  	_ =	shalt  }
0x5a: {  	_ =	shalt  }
0x5b: {  	_ =	shalt  }
0x5c: {  	_ =	shalt  }
0x5d: {  	_ =	shalt  }
0x5e: {  	_ =	shalt  }
0x5f: {  	_ =	shalt  }
0x60: {  	_ =	shalt  }
0x61: {  	_ =	shalt  }
0x62: {  	_ =	shalt  }
0x63: {  	_ =	shalt  }
0x64: {  	_ =	shalt  }
0x65: {  	_ =	shalt  }
0x66: {  	_ =	shalt  }
0x67: {  	_ =	shalt  }
0x68: {  	_ =	shalt  }
0x69: {  	_ =	shalt  }
0x6a: {  	_ =	shalt  }
0x6b: {  	_ =	shalt  }
0x6c: {  	_ =	shalt  }
0x6d: {  	_ =	shalt  }
0x6e: {  	_ =	shalt  }
0x6f: {  	_ =	shalt  }
0x70: {  	_ =	shalt  }
0x71: {  	_ =	shalt  }
0x72: {  	_ =	shalt  }
0x73: {  	_ =	shalt  }
0x74: {  	_ =	shalt  }
0x75: {  	_ =	shalt  }
0x76: {  	_ =	shalt  }
0x77: {  	_ =	shalt  }
0x78: {  	_ =	shalt  }
0x79: {  	_ =	shalt  }
0x7a: {  	_ =	shalt  }
0x7b: {  	_ =	shalt  }
0x7c: {  	_ =	shalt  }
0x7d: {  	_ =	shalt  }
0x7e: {  	_ =	shalt  }
0x7f: {  	_ =	shalt  }
0x80: {  	_ =	shalt  }
0x81: {  	_ =	shalt  }
0x82: {  	_ =	shalt  }
0x83: {  	_ =	shalt  }
0x84: {  	_ =	shalt  }
0x85: {  	_ =	shalt  }
0x86: {  	_ =	shalt  }
0x87: {  	_ =	shalt  }
.Lfunc_end0:
.L_simem_size_0:
called_computation.1_lowered:
.L_overlay_start_0:
0x88: {  	s2 =	sld [smem:$0x3FD9]  }
0x89: {  	s3 =	sld [smem:$0x3FFE];
	_ =	sdelay $0x1  }
0x8a: {  	s1 =	srdreg.scid  }
0x8b: {  	s0 =	sand.u32 $0x1, s1  }
0x8c: {  	s17 =	sshll.u32 s0, $0xA;
	s2 =	sadd.s32 s3, s2  }
0x8d: {  	s2 =	sadd.s32 s2, s17  }
0x8e: {  	[smem:$0x3FC1] =	sst s2  }
0x8f: {  	_ = 	snop  }
0x90: {  	s2 =	sld [smem:$0x3FC3];
	(tm) =	ssettm $0x1  }
0x91: {  	s18 =	sld [smem:$0x3FFB];
	_ =	sdelay $0x3  }
0x92: {  	_ =	strace s18  }
0x93: {  	s3 =	sld [smem:$0x3FFC];
	_ =	sdelay $0x3  }
0x94: {  	_ =	strace s3  }
0x95: {  	s3 =	sld [smem:$0x3FFD];
	_ =	sdelay $0x3  }
0x96: {  	_ =	strace s3  }
0x97: {  	_ =	strace $0x8FFFFFFF  }
0x98: {  	s19 =	sld [smem:$0x3FDB];
	_ =	sdelay $0x1  }
0x99: {  	s4 =	simm.s32 $_scs_section_size  }
0x9a: {  	s5 =	simm.s32 $_size__tile_overlayer_lowered;
	s6 =	simm.s32 $_tile_overlayer_lowered  }
0x9b: {  	s22 =	simm.s32 $0x1BFF;
	s21 =	sshll.u32 s6, $0x1;
	s3 =	sadd.s32 s4, s19  }
0x9c: {  	s7 =	simm.s32 $0x0;
	s20 =	sshll.u32 s5, $0x1;
	s5 =	sadd.s32 s21, s3  }
0x9d: {  	[timem:s7], [sflag:s22] =	dma.local [hbm:s5], s20  }
0x9e: {  	_ =	swait.ge [sflag:s22], s20  }
0x9f: {  	s4 =	ssub.s32 $0x0, s20;
	[sflag:s22] =	ssyncset.done $0x0  }
0xa0: {  	[sflag:s22] =	ssyncadd.s32 s4;
	_ =	sdelay $0x1  }
0xa1: {  	s23 =	simm.s32 $0x1B8B  }
0xa2: {  	_ =	swait.ge [sflag:s23], $0x1  }
0xa3: {  	[sflag:s23] =	ssyncset.done $0x0  }
0xa4: {  	s25 =	simm.s32 $0x1B8E;
	s24 =	sld [smem:$0x3FFE];
	[sflag:s23] =	ssyncadd.s32 $0xFFFFFFFF  }
0xa5: {  	s26 =	simm.s32 $execute0_lowered;
	[smem:$0x3FD2] =	sst s25  }
0xa6: {  	s5 =	sshll.u32 s26, $0x1;
	_ =	strace $0x80000049;
	[dreg:$0x1] =	wrdreg $0xFFFFFFFF  }
0xa7: {  	s28 =	simm.s32 $_size_execute0_lowered;
	s3 =	sadd.s32 s3, s5;
	[dreg:$0x0] =	wrdreg $0x0  }
0xa8: {  	s5 =	sshll.u32 s28, $0x1;
	[dreg:$0x2] =	wrdreg s3  }
0xa9: {  	[dreg:$0x3] =	wrdreg s5  }
0xaa: {  	[dreg:$0x4] =	wrdreg $0xC0  }
0xab: {  	_ =	task [dreg:s7], $0x5FFFF  }
0xac: {  	[dreg:$0x1] =	wrdreg $0xFFFFFFFF  }
0xad: {  	[dreg:$0x0] =	wrdreg $0x60  }
0xae: {  	[dreg:$0x2] =	wrdreg s2  }
0xaf: {  	[dreg:$0x3] =	wrdreg s24  }
0xb0: {  	[dreg:$0x4] =	wrdreg $0x6E800  }
0xb1: {  	[dreg:$0x5] =	wrdreg $0x9  }
0xb2: {  	_ =	task.clear_ibuf [dreg:s7], $0x6FFFF;
	_ =	strace $0x90000049  }
0xb3: {  	s29 =	simm.s32 $0x9;
	_ =	strace $0x8000004B  }
0xb4: {  	_ =	swait.ge [sflag:s29], $0x1  }
0xb5: {  	[sflag:s29] =	ssyncadd.s32 $0xFFFFFFFF  }
0xb6: {  	_ =	strace $0x9000004B  }
0xb7: {  	_ =	sfence  }
0xb8: {  	s30 =	sld [smem:$0x0];
	_ =	sdelay $0x2  }
0xb9: {  	s31 =	sshll.u32 s1, $0xD;
	s1 =	sshrl.u32 s1, $0x2  }
0xba: {  	s3 =	sand.u32 $0x4000, s31;
	s1 =	sadd.s32 s1, s30  }
0xbb: {  	s0 =	sor.u32 s3, s0;
	s1 =	sshll.u32 s1, $0x11  }
0xbc: {  	s0 =	sor.u32 s1, s0  }
0xbd: {  	s0 =	sadd.s32 $0x8F2B, s0  }
0xbe: {  	[sflag:s0] =	ssyncadd.remote.s32 $0x1  }
0xbf: {  	_ =	sfence.sel $0xFFFF  }
0xc0: {  	[dreg:$0x0] =	wrdreg $0xFFFFFFFF;
	(pc) =	sbr.abs _section_cstart, $3  }
0xc1: {  	[dreg:$0x1] =	wrdreg $0xFFFFFFFF  }
0xc2: {  	_ =	task.clear_ibuf [dreg:s7], $0x2FFFF;
	_ =	strace $0x9FFFFFFF  }
0xc3: {  	(tm) =	ssettm $0x7FFFFFFF  }
tec
execute0_lowered:
.L_overlay_start_1:
0x0: {  	(tag) =	ssettag $0x1  }
0x1: {  	s5 =	rddreg [dreg:$0x0]  }
0x2: {  	s1 =	srdreg.scid;
	s6 =	rddreg [dreg:$0x1]  }
0x3: {  	s0 =	stileid.u32;
	s2 =	rddreg [dreg:$0x2];
	s3 =	simm.s32 $0x0  }
0x4: {  	s17 =	simm.s32 $0x10;
	s18 =	simm.s32 $0x0;
	s4 =	sand.u32 $0x1, s1  }
0x5: {  	s28 =	sshll.u32 s0, $0x1;
	s8 =	smul.u32 $0x1900, s0;
	[smem:$0x7FF] =	sst s3  }
0x6: {  	s11 =	smul.u32 $0x3200, s0;
	s14 =	sshll.u32 s0, $0x6;
	s1 =	sor.u32 s4, s28  }
0x7: {  	s10 =	sshll.u32 s4, $0x7;
	s4 =	ssub.s32 $0x2, s4;
	s14 =	sor.u32 $0x1C02, s14  }
0x8: {  	s7 =	smul.u32 $0x30D4, s1;
	s1 =	rddreg [dreg:$0x3];
	_ =	strace $0x8000004A  }
0x9: {  	s8 =	sor.u32 s10, s8;
	s30 =	sshrl.u32 s4, $0x1;
	s11 =	sshrl.u32 s11, $0x2  }
0xa: {  	s10 =	simm.s32 $0x2;
	s8 =	sshrl.u32 s8, $0x3;
	s31 =	ssub.s32 s4, s30  }
0xb: {  	s4 =	sadd.s32 s11, s2;
	s11 =	simm.s32 $0x30E0;
	s9 =	sand.u32 $0x7FFF8, s7  }
0xc: {  	s8 =	sadd.s32 s8, s6;
	s15 =	sshrl.u32 s4, $0x3;
	s9 =	smin.u32 s9, $0x5E9A0  }
0xd: {  	s29 =	sshrl.u32 s9, $0x3;
	s13 =	ssub.s32 s7, s9;
	s7 =	sadd.s32 $0x10C00, s8  }
0xe: {  	s8 =	smax.u32 s31, $0x1;
	s9 =	simm.s32 $0x6200;
	s12 =	sadd.s32 s29, s6  }
0xf: {  	s16 =	sadd.s32 $0x30D4, s13;
	s5 =	sadd.s32 s5, s29;
	v0 =	vmov s13;
	s13 =	simm.s32 $0x1  }
0x10: {  	v2 =	vimm.f32 $0.0e+00;
	v3 =	vlaneseq.u32;
	s6 =	sadd.s32 $0x4800, s12;
	s12 =	simm.s32 $0x3100;
	v1 =	vmov s16;
	s16 =	simm.s32 $0x20  }
.LBB2_1:
0x11: {  	s19 =	simm.s32 $0x40;
	s20 =	simm.s32 $0x0  }
.LBB2_2:
0x12: {  	p0 =	sne.s32 s19, $0x31C0;
	[tilespmem:s20+$0x6200] =	vst v2;
	s20 =	smov.u32 s19;
	s19 =	sadd.s32 $0x40, s19  }
.Ltmp0:
0x13: {  	(pc) =	sbr.rel @p0 .LBB2_2-.Ltmp0, $2  }
0x14: {  	_ =	sdelay $0x2  }
0x15: {  	s20 =	sshra.s32 s20, $0x2  }
0x16: {  	[tilespmem:s20+$0x6200] =	vst v2  }
0x17: {  	[spmem:s4] =	stream.linear.scatter [tilespmem:s9], [sflag:$0x2], $0xC80, $0x38;
	[tilespmem:$0x7B00] =	vst v63  }
0x18: {  	_ =	swait.ge [sflag:s10], $0xC80  }
0x19: {  	[sflag:s10] =	ssyncset.done $0x0  }
0x1a: {  	s20 =	simm.s32 $0x0;
	[sflag:s10] =	ssyncadd.s32 $0xFFFFF380  }
0x1b: {  	[tilespmem:s20], [sflag:$0x2] =	stream.linear.gather [hbm4b:s5+s20], $0x30E0, $0x38;
	[tilespmem:$0x7B00] =	vst v63  }
0x1c: {  	_ =	swait.ge [sflag:s10], $0x30E0  }
0x1d: {  	[sflag:s10] =	ssyncset.done $0x0  }
0x1e: {  	s19 =	simm.s32 $0x3100;
	[sflag:s10] =	ssyncadd.s32 $0xFFFFCF20  }
0x1f: {  	[tilespmem:s19], [sflag:$0x2] =	stream.linear.gather [hbm4b:s6+s20], $0x30E0, $0x38;
	[tilespmem:$0x7B00] =	vst v63  }
0x20: {  	_ =	swait.ge [sflag:s10], $0x30E0  }
0x21: {  	[sflag:s10] =	ssyncset.done $0x0  }
0x22: {  	[sflag:s10] =	ssyncadd.s32 $0xFFFFCF20  }
0x23: {  	s21 =	simm.s32 $0x10;
	v4 =	vld [tilespmem:s19+$0x0]  }
.LBB2_4:
0x24: {  	p0 =	sne.s32 s21, $0x30D0  }
0x25: {  	v5 =	vor.u32 s20, v3;
	s20 =	smov.u32 s21  }
.Ltmp1:
0x26: {  	vm0 =	vge.s32 v5, v0;
	vm1 =	vlt.s32 v5, v1;
	(pc) =	sbr.rel @p0 .LBB2_4-.Ltmp1, $4  }
0x27: {  	vm0 =	vmand vm0, vm1  }
0x28: {  	v4 =	vnsel vm0, $0x0, v4  }
0x29: {  	[tilespmem:s19+$0x0] =	vst v4;
	s19 =	sadd.s32 $0x10, s19  }
0x2a: {  	s21 =	sadd.s32 $0x10, s21;
	v4 =	vld [tilespmem:s19+$0x0]  }
0x2b: {  	_ = 	snop  }
0x2c: {  	v5 =	vor.u32 s20, v3  }
0x2d: {  	vm0 =	vge.s32 v5, v0;
	vm1 =	vlt.s32 v5, v1  }
0x2e: {  	vm0 =	vmand vm0, vm1  }
0x2f: {  	v4 =	vnsel vm0, $0x0, v4  }
0x30: {  	[tilespmem:s19+$0x0] =	vst v4  }
0x31: {  	[bflag:$0x0] =	sbarrier.arrive $0xFFFF  }
0x32: {  	[spmem:s2] =	stream.indirect.scatter.add.f32 [tilespmem:s12], [sflag:$0x1], $0x1, s3, s11, $0xb8;
	[tilespmem:$0x7B00] =	vst v63  }
0x33: {  	_ =	swait.ge [sflag:s13], $0x30E0  }
0x34: {  	s18 =	sadd.s32 $0x1, s18;
	[sflag:s13] =	ssyncset.done $0x0  }
0x35: {  	p0 =	sne.s32 s18, s8;
	[sflag:s13] =	ssyncadd.s32 $0xFFFFCF20  }
.Ltmp2:
0x36: {  	[bflag:$0x0] =	sbarrier.arrive $0xFFFF;
	(pc) =	sbr.rel @p0 .LBB2_1-.Ltmp2, $4  }
0x37: {  	[hbm:s7@s16], [sflag:s14] =	dma.strided [spmem:s15@s17], $0x190, s13, $0x10   }
0x38: {  	_ =	swait.ge [sflag:s10], $0x190  }
0x39: {  	[sflag:s10] =	ssyncset.done $0x0  }
0x3a: {  	[sflag:s10] =	ssyncadd.s32 $0xFFFFFE70  }
0x3b: {  	_ =	sfence.sel $0x180000  }
0x3c: {  	[bflag:$0x0] =	sbarrier.arrive $0xFFFF  }
0x3d: {  	p0 =	sne.s32 s0, $0x0;
	_ =	strace $0x9000004A  }
0x3e: {  	s0 =	sadd.s32 @!p0 $0x100000, s1;
	[bflag:$0x2] =	sbarrier.arrive $0xFFFF  }
0x3f: {  	[sflag:s0] =	ssyncadd.tile.s32 @!p0 $0x1;
	_ =	shalt  }
.Lfunc_end2:
_tile_overlayer_lowered:
.L_overlay_start_2:
0x40: {  	(tag) =	ssettag $0x2  }
0x41: {  	s0 =	rddreg [dreg:$0x0];
	s2 =	stileid.u32  }
0x42: {  	s1 =	rddreg [dreg:$0x1];
	p0 =	sne.s32 s2, $0x0  }
0x43: {  	s3 =	rddreg [dreg:$0x2];
	[bflag:$0x3] =	sbarrier.arrive $0xFFFF;
	s2 =	simm.s32 @!p0 $0x1C02  }
0x44: {  	[timem:s3], [sflag:s2] =	dma.local @!p0 [hbm:s0], s1  }
0x45: {  	s0 =	simm.s32 @!p0 $0x2  }
0x46: {  	_ =	swait.ge @!p0 [sflag:s0], s1  }
0x47: {  	s1 =	ssub.s32 @!p0 $0x0, s1;
	[sflag:s0] =	ssyncset.done @!p0 $0x0  }
0x48: {  	[sflag:s0] =	ssyncadd.s32 @!p0 s1  }
0x49: {  	[bflag:$0x3] =	sbarrier.arrive $0xFFFF  }
0x4a: {  	_ =	shalt  }

</sc_bundles>
